<compile_context>
chip_gen: v7x
topology: tpu7x:2x2x1
jax: 0.10.2.dev20260603
libtpu: 0.0.44.dev20260713+nightly
codegen_flags: <defaults>
</compile_context>

<pallas_src>
import functools

import jax
import jax.numpy as jnp
from jax import lax
from jax.experimental import pallas as pl
from jax.experimental.pallas import tpu as pltpu
from jax.experimental.pallas import tpu_sc as plsc

_FEAT = 64
_CDIM = 100000
_B = 1024
_LAMB = max(5.0, 1500.0 / (1.0 + 0.1 * 1))
_COEF = 1.0 / (1.0 + _LAMB)
_RT2H = 0.7071067811865476
_NC = 2
_NS = 16
_NW = _NC * _NS
_FPW = _FEAT // _NW
_EPW = _FPW * _B
_CBLK = 128
_NBLK = _B // _CBLK


def _sc_gather_body(w_hbm, t_hbm, out_hbm, t_v, idx_v, row_v, sem):
    wid = lax.axis_index("s") * _NC + lax.axis_index("c")
    pltpu.sync_copy(t_hbm, t_v)
    f0 = wid * _FPW
    for ff in range(_FPW):
        base = (f0 + ff) * _CDIM
        for kk in range(_B // 16):
            sl = pl.ds(kk * 16, 16)
            idx_v[pl.ds(ff * _B + kk * 16, 16)] = t_v[sl] + base
    cp = pltpu.async_copy(w_hbm.at[idx_v], row_v, sem)
    cp.wait()
    pltpu.sync_copy(row_v, out_hbm.at[pl.ds(wid * _EPW, _EPW)])


@functools.cache
def _sc_gather():
    return pl.kernel(
        _sc_gather_body,
        mesh=plsc.VectorSubcoreMesh(core_axis_name="c", subcore_axis_name="s"),
        out_type=jax.ShapeDtypeStruct((_FEAT * _B,), jnp.float32),
        scratch_types=[
            pltpu.VMEM((_B,), jnp.int32),
            pltpu.VMEM((_EPW,), jnp.int32),
            pltpu.VMEM((_EPW,), jnp.float32),
            pltpu.SemaphoreType.DMA,
        ],
    )


def _tc_body(x_ref, wt_ref, tcol_ref, trow_ref, out_ref, acc_ref):
    j = pl.program_id(0)
    f32 = jnp.float32
    x = x_ref[...]
    wt = wt_ref[...]
    xlen = jnp.sqrt(jnp.sum(x * x, axis=1, keepdims=True))
    wn = jnp.sqrt(jnp.sum(wt * wt, axis=0, keepdims=True))
    s = jnp.dot(x, wt, preferred_element_type=f32)
    c = jnp.clip(s / (xlen * wn), -1.0, 1.0)
    c2 = c * c
    cos_m = 8.0 * c2 * c2 - 8.0 * c2 + 1.0
    k = ((c <= _RT2H).astype(f32) + (c <= 0.0).astype(f32)
         + (c <= -_RT2H).astype(f32) + (c <= -1.0).astype(f32))
    k_even = (c > _RT2H) | ((c <= 0.0) & (c > -_RT2H)) | (c <= -1.0)
    phi = jnp.where(k_even, cos_m, -cos_m) - 2.0 * k
    cos_sc = c * xlen
    phi_sc = phi * xlen
    m = (tcol_ref[...] == trow_ref[...]).astype(f32)
    outm = cos_sc - m * cos_sc * _COEF + m * phi_sc * _COEF
    cmax = jnp.max(outm, axis=0, keepdims=True)
    lse = cmax + jnp.log(jnp.sum(jnp.exp(outm - cmax), axis=0, keepdims=True))
    row_i = lax.broadcasted_iota(jnp.int32, (_B, _CBLK), 0)
    col_i = lax.broadcasted_iota(jnp.int32, (_B, _CBLK), 1) + j * _CBLK
    tr = jnp.sum(jnp.where(row_i == col_i, outm, 0.0))

    @pl.when(j == 0)
    def _init():
        acc_ref[0] = 0.0
        acc_ref[1] = 0.0

    acc_ref[0] += tr
    acc_ref[1] += jnp.sum(lse)

    @pl.when(j == pl.num_programs(0) - 1)
    def _fin():
        out_ref[0, 0] = -(acc_ref[0] - acc_ref[1]) / _B


_tc_loss = pl.pallas_call(
    _tc_body,
    grid=(_NBLK,),
    in_specs=[
        pl.BlockSpec((_B, _FEAT), lambda j: (0, 0)),
        pl.BlockSpec((_FEAT, _CBLK), lambda j: (0, j)),
        pl.BlockSpec((_B, 1), lambda j: (0, 0)),
        pl.BlockSpec((1, _CBLK), lambda j: (0, j)),
    ],
    out_specs=pl.BlockSpec(memory_space=pltpu.SMEM),
    out_shape=jax.ShapeDtypeStruct((1, 1), jnp.float32),
    scratch_shapes=[pltpu.SMEM((2,), jnp.float32)],
)


def kernel(input, target, W):
    wt = _sc_gather()(W.reshape(-1), target).reshape(_FEAT, _B)
    loss = _tc_loss(input, wt, target.reshape(_B, 1), target.reshape(1, _B))
    return loss.reshape(())

# --- scband reference (transcript-rebuilt; emitter-appended) ---
"""Pipeline reference for scband-sphere-loss-9990093930665 (READ-ONLY COPY).

The authoritative reference and input builder live on the scoring server;
editing this copy changes nothing except your own understanding.
"""

import jax, jax.numpy as jnp
import numpy as np

GAMMA = 0
M = 4
LAMBDA_MIN = 5.0
LAMBDA_MAX = 1500.0
FEAT_DIM = 64
C_DIM = 100000
BATCH = 1024


def setup_inputs(seed: int = 0) -> dict:
    key = jax.random.key(seed)
    k1, k2, k3 = jax.random.split(key, 3)
    x = jax.random.normal(k1, (BATCH, FEAT_DIM), dtype=jnp.float32)
    target = jax.random.randint(k2, (BATCH,), 0, C_DIM, dtype=jnp.int32)
    W = jax.random.normal(k3, (FEAT_DIM, C_DIM), dtype=jnp.float32)
    return {"input": x, "target": target, "W": W}


def _angle_linear(x, W):
    # torch: ww = w.renorm(2, 1, 1e-5).mul(1e5)  (column-wise renorm then rescale)
    wnorm = jnp.sqrt(jnp.sum(W * W, axis=0, keepdims=True))
    scale = jnp.where(wnorm > 1e-5, 1e-5 / jnp.maximum(wnorm, 1e-30), 1.0) * 1e5
    ww = W * scale
    xlen = jnp.sqrt(jnp.sum(x * x, axis=1))
    wlen = jnp.sqrt(jnp.sum(ww * ww, axis=0))
    cos_theta = (x @ ww) / xlen[:, None] / wlen[None, :]
    cos_theta = jnp.clip(cos_theta, -1.0, 1.0)
    # m = 4: cos(4*theta) = 8x^4 - 8x^2 + 1
    cos_m_theta = 8.0 * cos_theta ** 4 - 8.0 * cos_theta ** 2 + 1.0
    theta = jnp.arccos(jax.lax.stop_gradient(cos_theta))  # torch: cos_theta.data.acos()
    k = jnp.floor(M * theta / 3.14159265)
    n_one_pow_k = jnp.where(jnp.mod(k, 2.0) == 0.0, 1.0, -1.0)
    phi_theta = n_one_pow_k * cos_m_theta - 2.0 * k
    cos_theta = cos_theta * xlen[:, None]
    phi_theta = phi_theta * xlen[:, None]
    return cos_theta, phi_theta


def _sphere_loss(x, W, target):
    it = 1  # first forward call: self.it += 1 -> 1
    lamb = max(LAMBDA_MIN, LAMBDA_MAX / (1.0 + 0.1 * it))
    cos_theta, phi_theta = _angle_linear(x, W)
    B = cos_theta.shape[0]
    rows = jnp.arange(B)
    # index = zeros; index.scatter_(1, target, 1)  -> one-hot mask via scatter-set
    mask = jnp.zeros_like(cos_theta).at[rows, target].set(1.0)
    coef = 1.0 / (1.0 + lamb)
    output = cos_theta - mask * cos_theta * coef + mask * phi_theta * coef
    # NOTE: original code uses dim=0 (over batch) for log_softmax -- kept faithful
    logpt_full = jax.nn.log_softmax(output, axis=0)
    logpt = jnp.take_along_axis(logpt_full, target[:, None], axis=1)[:, 0]
    pt = jnp.exp(jax.lax.stop_gradient(logpt))
    loss = -1.0 * (1.0 - pt) ** GAMMA * logpt
    return jnp.mean(loss)


def reference(input, target, W):
    return _sphere_loss(input, W, target)

if __name__ == "__main__":
    import jax
    _d = setup_inputs()
    print(jax.jit(kernel)(*tuple(_d.values())))

</pallas_src>

<mosaic_0001>
#map = affine_map<(d0, d1) -> (0)>
module attributes {stable_mosaic.version = 14 : i64} {
  func.func @_sc_gather_body(%arg0: i32, %arg1: i32, %arg2: memref<6400000xf32, #tpu.memory_space<hbm>>, %arg3: memref<1024xi32, #tpu.memory_space<hbm>>, %arg4: memref<65536xf32, #tpu.memory_space<hbm>>, %arg5: memref<1024xi32, #tpu.memory_space<vmem>>, %arg6: memref<2048xi32, #tpu.memory_space<vmem>>, %arg7: memref<2048xf32, #tpu.memory_space<vmem>>, %arg8: memref<!tpu.dma_semaphore, #tpu.memory_space<semaphore_mem>>) attributes {dimension_semantics = [#tpu.dimension_semantics<core_parallel>, #tpu.dimension_semantics<subcore_parallel>], iteration_bounds = array<i64: 2, 16>, scalar_prefetch = 0 : i64, scratch_operands = 4 : i64, tpu.core_type = #tpu.core_type<sc_vector_subcore>, window_params = [{transform_indices = #map}, {transform_indices = #map}, {transform_indices = #map}]} {
    %mul3A = arith.constant 2 : i32
    %mul3A_0 = arith.muli %arg1, %mul3A : i32
    %add3A = arith.addi %mul3A_0, %arg0 : i32
    "tpu.region"() ({
      %run_scoped3A = tpu.sem_alloc : memref<!tpu.dma_semaphore, #tpu.memory_space<semaphore_mem>>
      tpu.enqueue_dma source(%arg3 : memref<1024xi32, #tpu.memory_space<hbm>>) target(%arg5 : memref<1024xi32, #tpu.memory_space<vmem>>) target_semaphore(%run_scoped3A : memref<!tpu.dma_semaphore, #tpu.memory_space<semaphore_mem>>)
      tpu.wait_dma2 semaphore(%run_scoped3A : memref<!tpu.dma_semaphore, #tpu.memory_space<semaphore_mem>>) src(%arg3 : memref<1024xi32, #tpu.memory_space<hbm>>) dst(%arg5 : memref<1024xi32, #tpu.memory_space<vmem>>)
      tpu.yield
    }) : () -> ()
    %mul3A_1 = arith.constant 2 : i32
    %mul3A_2 = arith.muli %add3A, %mul3A_1 : i32
    %add3A_3 = arith.constant 0 : i32
    %add3A_4 = arith.addi %mul3A_2, %add3A_3 : i32
    %mul3A_5 = arith.constant 100000 : i32
    %mul3A_6 = arith.muli %add3A_4, %mul3A_5 : i32
    %get3A = arith.constant 0 : index
    %get3A_7 = tpu.vector_load %arg5[%get3A] {strides = array<i32>} : memref<1024xi32, #tpu.memory_space<vmem>>, vector<16xi32>,
    %get3A_8 = vector.shape_cast %get3A_7 : vector<16xi32> to vector<16xi32>
    %add3A_9 = vector.broadcast %mul3A_6 : i32 to vector<16xi32>
    %add3A_10 = arith.addi %get3A_8, %add3A_9 : vector<16xi32>
    %swap3A = arith.constant 0 : index
    %swap3A_11 = tpu.vector_load %arg6[%swap3A] {strides = array<i32>} : memref<2048xi32, #tpu.memory_space<vmem>>, vector<16xi32>,
    %swap3A_12 = vector.shape_cast %swap3A_11 : vector<16xi32> to vector<16xi32>
    %swap3A_13 = vector.shape_cast %add3A_10 : vector<16xi32> to vector<16xi32>
    tpu.vector_store %arg6[%swap3A], %swap3A_13 {strides = array<i32>} : memref<2048xi32, #tpu.memory_space<vmem>>, vector<16xi32>,
    %get3A_14 = arith.constant 16 : index
    %get3A_15 = tpu.vector_load %arg5[%get3A_14] {strides = array<i32>} : memref<1024xi32, #tpu.memory_space<vmem>>, vector<16xi32>,
    %get3A_16 = vector.shape_cast %get3A_15 : vector<16xi32> to vector<16xi32>
    %add3A_17 = vector.broadcast %mul3A_6 : i32 to vector<16xi32>
    %add3A_18 = arith.addi %get3A_16, %add3A_17 : vector<16xi32>
    %swap3A_19 = arith.constant 16 : index
    %swap3A_20 = tpu.vector_load %arg6[%swap3A_19] {strides = array<i32>} : memref<2048xi32, #tpu.memory_space<vmem>>, vector<16xi32>,
    %swap3A_21 = vector.shape_cast %swap3A_20 : vector<16xi32> to vector<16xi32>
    %swap3A_22 = vector.shape_cast %add3A_18 : vector<16xi32> to vector<16xi32>
    tpu.vector_store %arg6[%swap3A_19], %swap3A_22 {strides = array<i32>} : memref<2048xi32, #tpu.memory_space<vmem>>, vector<16xi32>,
    %get3A_23 = arith.constant 32 : index
    %get3A_24 = tpu.vector_load %arg5[%get3A_23] {strides = array<i32>} : memref<1024xi32, #tpu.memory_space<vmem>>, vector<16xi32>,
    %get3A_25 = vector.shape_cast %get3A_24 : vector<16xi32> to vector<16xi32>
    %add3A_26 = vector.broadcast %mul3A_6 : i32 to vector<16xi32>
    %add3A_27 = arith.addi %get3A_25, %add3A_26 : vector<16xi32>
    %swap3A_28 = arith.constant 32 : index
    %swap3A_29 = tpu.vector_load %arg6[%swap3A_28] {strides = array<i32>} : memref<2048xi32, #tpu.memory_space<vmem>>, vector<16xi32>,
    %swap3A_30 = vector.shape_cast %swap3A_29 : vector<16xi32> to vector<16xi32>
    %swap3A_31 = vector.shape_cast %add3A_27 : vector<16xi32> to vector<16xi32>
    tpu.vector_store %arg6[%swap3A_28], %swap3A_31 {strides = array<i32>} : memref<2048xi32, #tpu.memory_space<vmem>>, vector<16xi32>,
    %get3A_32 = arith.constant 48 : index
    %get3A_33 = tpu.vector_load %arg5[%get3A_32] {strides = array<i32>} : memref<1024xi32, #tpu.memory_space<vmem>>, vector<16xi32>,
    %get3A_34 = vector.shape_cast %get3A_33 : vector<16xi32> to vector<16xi32>
    %add3A_35 = vector.broadcast %mul3A_6 : i32 to vector<16xi32>
    %add3A_36 = arith.addi %get3A_34, %add3A_35 : vector<16xi32>
    %swap3A_37 = arith.constant 48 : index
    %swap3A_38 = tpu.vector_load %arg6[%swap3A_37] {strides = array<i32>} : memref<2048xi32, #tpu.memory_space<vmem>>, vector<16xi32>,
    %swap3A_39 = vector.shape_cast %swap3A_38 : vector<16xi32> to vector<16xi32>
    %swap3A_40 = vector.shape_cast %add3A_36 : vector<16xi32> to vector<16xi32>
    tpu.vector_store %arg6[%swap3A_37], %swap3A_40 {strides = array<i32>} : memref<2048xi32, #tpu.memory_space<vmem>>, vector<16xi32>,
    %get3A_41 = arith.constant 64 : index
    %get3A_42 = tpu.vector_load %arg5[%get3A_41] {strides = array<i32>} : memref<1024xi32, #tpu.memory_space<vmem>>, vector<16xi32>,
    %get3A_43 = vector.shape_cast %get3A_42 : vector<16xi32> to vector<16xi32>
    %add3A_44 = vector.broadcast %mul3A_6 : i32 to vector<16xi32>
    %add3A_45 = arith.addi %get3A_43, %add3A_44 : vector<16xi32>
    %swap3A_46 = arith.constant 64 : index
    %swap3A_47 = tpu.vector_load %arg6[%swap3A_46] {strides = array<i32>} : memref<2048xi32, #tpu.memory_space<vmem>>, vector<16xi32>,
    %swap3A_48 = vector.shape_cast %swap3A_47 : vector<16xi32> to vector<16xi32>
    %swap3A_49 = vector.shape_cast %add3A_45 : vector<16xi32> to vector<16xi32>
    tpu.vector_store %arg6[%swap3A_46], %swap3A_49 {strides = array<i32>} : memref<2048xi32, #tpu.memory_space<vmem>>, vector<16xi32>,
    %get3A_50 = arith.constant 80 : index
    %get3A_51 = tpu.vector_load %arg5[%get3A_50] {strides = array<i32>} : memref<1024xi32, #tpu.memory_space<vmem>>, vector<16xi32>,
    %get3A_52 = vector.shape_cast %get3A_51 : vector<16xi32> to vector<16xi32>
    %add3A_53 = vector.broadcast %mul3A_6 : i32 to vector<16xi32>
    %add3A_54 = arith.addi %get3A_52, %add3A_53 : vector<16xi32>
    %swap3A_55 = arith.constant 80 : index
    %swap3A_56 = tpu.vector_load %arg6[%swap3A_55] {strides = array<i32>} : memref<2048xi32, #tpu.memory_space<vmem>>, vector<16xi32>,
    %swap3A_57 = vector.shape_cast %swap3A_56 : vector<16xi32> to vector<16xi32>
    %swap3A_58 = vector.shape_cast %add3A_54 : vector<16xi32> to vector<16xi32>
    tpu.vector_store %arg6[%swap3A_55], %swap3A_58 {strides = array<i32>} : memref<2048xi32, #tpu.memory_space<vmem>>, vector<16xi32>,
    %get3A_59 = arith.constant 96 : index
    %get3A_60 = tpu.vector_load %arg5[%get3A_59] {strides = array<i32>} : memref<1024xi32, #tpu.memory_space<vmem>>, vector<16xi32>,
    %get3A_61 = vector.shape_cast %get3A_60 : vector<16xi32> to vector<16xi32>
    %add3A_62 = vector.broadcast %mul3A_6 : i32 to vector<16xi32>
    %add3A_63 = arith.addi %get3A_61, %add3A_62 : vector<16xi32>
    %swap3A_64 = arith.constant 96 : index
    %swap3A_65 = tpu.vector_load %arg6[%swap3A_64] {strides = array<i32>} : memref<2048xi32, #tpu.memory_space<vmem>>, vector<16xi32>,
    %swap3A_66 = vector.shape_cast %swap3A_65 : vector<16xi32> to vector<16xi32>
    %swap3A_67 = vector.shape_cast %add3A_63 : vector<16xi32> to vector<16xi32>
    tpu.vector_store %arg6[%swap3A_64], %swap3A_67 {strides = array<i32>} : memref<2048xi32, #tpu.memory_space<vmem>>, vector<16xi32>,
    %get3A_68 = arith.constant 112 : index
    %get3A_69 = tpu.vector_load %arg5[%get3A_68] {strides = array<i32>} : memref<1024xi32, #tpu.memory_space<vmem>>, vector<16xi32>,
    %get3A_70 = vector.shape_cast %get3A_69 : vector<16xi32> to vector<16xi32>
    %add3A_71 = vector.broadcast %mul3A_6 : i32 to vector<16xi32>
    %add3A_72 = arith.addi %get3A_70, %add3A_71 : vector<16xi32>
    %swap3A_73 = arith.constant 112 : index
    %swap3A_74 = tpu.vector_load %arg6[%swap3A_73] {strides = array<i32>} : memref<2048xi32, #tpu.memory_space<vmem>>, vector<16xi32>,
    %swap3A_75 = vector.shape_cast %swap3A_74 : vector<16xi32> to vector<16xi32>
    %swap3A_76 = vector.shape_cast %add3A_72 : vector<16xi32> to vector<16xi32>
    tpu.vector_store %arg6[%swap3A_73], %swap3A_76 {strides = array<i32>} : memref<2048xi32, #tpu.memory_space<vmem>>, vector<16xi32>,
    %get3A_77 = arith.constant 128 : index
    %get3A_78 = tpu.vector_load %arg5[%get3A_77] {strides = array<i32>} : memref<1024xi32, #tpu.memory_space<vmem>>, vector<16xi32>,
    %get3A_79 = vector.shape_cast %get3A_78 : vector<16xi32> to vector<16xi32>
    %add3A_80 = vector.broadcast %mul3A_6 : i32 to vector<16xi32>
    %add3A_81 = arith.addi %get3A_79, %add3A_80 : vector<16xi32>
    %swap3A_82 = arith.constant 128 : index
    %swap3A_83 = tpu.vector_load %arg6[%swap3A_82] {strides = array<i32>} : memref<2048xi32, #tpu.memory_space<vmem>>, vector<16xi32>,
    %swap3A_84 = vector.shape_cast %swap3A_83 : vector<16xi32> to vector<16xi32>
    %swap3A_85 = vector.shape_cast %add3A_81 : vector<16xi32> to vector<16xi32>
    tpu.vector_store %arg6[%swap3A_82], %swap3A_85 {strides = array<i32>} : memref<2048xi32, #tpu.memory_space<vmem>>, vector<16xi32>,
    %get3A_86 = arith.constant 144 : index
    %get3A_87 = tpu.vector_load %arg5[%get3A_86] {strides = array<i32>} : memref<1024xi32, #tpu.memory_space<vmem>>, vector<16xi32>,
    %get3A_88 = vector.shape_cast %get3A_87 : vector<16xi32> to vector<16xi32>
    %add3A_89 = vector.broadcast %mul3A_6 : i32 to vector<16xi32>
    %add3A_90 = arith.addi %get3A_88, %add3A_89 : vector<16xi32>
    %swap3A_91 = arith.constant 144 : index
    %swap3A_92 = tpu.vector_load %arg6[%swap3A_91] {strides = array<i32>} : memref<2048xi32, #tpu.memory_space<vmem>>, vector<16xi32>,
    %swap3A_93 = vector.shape_cast %swap3A_92 : vector<16xi32> to vector<16xi32>
    %swap3A_94 = vector.shape_cast %add3A_90 : vector<16xi32> to vector<16xi32>
    tpu.vector_store %arg6[%swap3A_91], %swap3A_94 {strides = array<i32>} : memref<2048xi32, #tpu.memory_space<vmem>>, vector<16xi32>,
    %get3A_95 = arith.constant 160 : index
    %get3A_96 = tpu.vector_load %arg5[%get3A_95] {strides = array<i32>} : memref<1024xi32, #tpu.memory_space<vmem>>, vector<16xi32>,
    %get3A_97 = vector.shape_cast %get3A_96 : vector<16xi32> to vector<16xi32>
    %add3A_98 = vector.broadcast %mul3A_6 : i32 to vector<16xi32>
    %add3A_99 = arith.addi %get3A_97, %add3A_98 : vector<16xi32>
    %swap3A_100 = arith.constant 160 : index
    %swap3A_101 = tpu.vector_load %arg6[%swap3A_100] {strides = array<i32>} : memref<2048xi32, #tpu.memory_space<vmem>>, vector<16xi32>,
    %swap3A_102 = vector.shape_cast %swap3A_101 : vector<16xi32> to vector<16xi32>
    %swap3A_103 = vector.shape_cast %add3A_99 : vector<16xi32> to vector<16xi32>
    tpu.vector_store %arg6[%swap3A_100], %swap3A_103 {strides = array<i32>} : memref<2048xi32, #tpu.memory_space<vmem>>, vector<16xi32>,
    %get3A_104 = arith.constant 176 : index
    %get3A_105 = tpu.vector_load %arg5[%get3A_104] {strides = array<i32>} : memref<1024xi32, #tpu.memory_space<vmem>>, vector<16xi32>,
    %get3A_106 = vector.shape_cast %get3A_105 : vector<16xi32> to vector<16xi32>
    %add3A_107 = vector.broadcast %mul3A_6 : i32 to vector<16xi32>
    %add3A_108 = arith.addi %get3A_106, %add3A_107 : vector<16xi32>
    %swap3A_109 = arith.constant 176 : index
    %swap3A_110 = tpu.vector_load %arg6[%swap3A_109] {strides = array<i32>} : memref<2048xi32, #tpu.memory_space<vmem>>, vector<16xi32>,
    %swap3A_111 = vector.shape_cast %swap3A_110 : vector<16xi32> to vector<16xi32>
    %swap3A_112 = vector.shape_cast %add3A_108 : vector<16xi32> to vector<16xi32>
    tpu.vector_store %arg6[%swap3A_109], %swap3A_112 {strides = array<i32>} : memref<2048xi32, #tpu.memory_space<vmem>>, vector<16xi32>,
    %get3A_113 = arith.constant 192 : index
    %get3A_114 = tpu.vector_load %arg5[%get3A_113] {strides = array<i32>} : memref<1024xi32, #tpu.memory_space<vmem>>, vector<16xi32>,
    %get3A_115 = vector.shape_cast %get3A_114 : vector<16xi32> to vector<16xi32>
    %add3A_116 = vector.broadcast %mul3A_6 : i32 to vector<16xi32>
    %add3A_117 = arith.addi %get3A_115, %add3A_116 : vector<16xi32>
    %swap3A_118 = arith.constant 192 : index
    %swap3A_119 = tpu.vector_load %arg6[%swap3A_118] {strides = array<i32>} : memref<2048xi32, #tpu.memory_space<vmem>>, vector<16xi32>,
    %swap3A_120 = vector.shape_cast %swap3A_119 : vector<16xi32> to vector<16xi32>
    %swap3A_121 = vector.shape_cast %add3A_117 : vector<16xi32> to vector<16xi32>
    tpu.vector_store %arg6[%swap3A_118], %swap3A_121 {strides = array<i32>} : memref<2048xi32, #tpu.memory_space<vmem>>, vector<16xi32>,
    %get3A_122 = arith.constant 208 : index
    %get3A_123 = tpu.vector_load %arg5[%get3A_122] {strides = array<i32>} : memref<1024xi32, #tpu.memory_space<vmem>>, vector<16xi32>,
    %get3A_124 = vector.shape_cast %get3A_123 : vector<16xi32> to vector<16xi32>
    %add3A_125 = vector.broadcast %mul3A_6 : i32 to vector<16xi32>
    %add3A_126 = arith.addi %get3A_124, %add3A_125 : vector<16xi32>
    %swap3A_127 = arith.constant 208 : index
    %swap3A_128 = tpu.vector_load %arg6[%swap3A_127] {strides = array<i32>} : memref<2048xi32, #tpu.memory_space<vmem>>, vector<16xi32>,
    %swap3A_129 = vector.shape_cast %swap3A_128 : vector<16xi32> to vector<16xi32>
    %swap3A_130 = vector.shape_cast %add3A_126 : vector<16xi32> to vector<16xi32>
    tpu.vector_store %arg6[%swap3A_127], %swap3A_130 {strides = array<i32>} : memref<2048xi32, #tpu.memory_space<vmem>>, vector<16xi32>,
    %get3A_131 = arith.constant 224 : index
    %get3A_132 = tpu.vector_load %arg5[%get3A_131] {strides = array<i32>} : memref<1024xi32, #tpu.memory_space<vmem>>, vector<16xi32>,
    %get3A_133 = vector.shape_cast %get3A_132 : vector<16xi32> to vector<16xi32>
    %add3A_134 = vector.broadcast %mul3A_6 : i32 to vector<16xi32>
    %add3A_135 = arith.addi %get3A_133, %add3A_134 : vector<16xi32>
    %swap3A_136 = arith.constant 224 : index
    %swap3A_137 = tpu.vector_load %arg6[%swap3A_136] {strides = array<i32>} : memref<2048xi32, #tpu.memory_space<vmem>>, vector<16xi32>,
    %swap3A_138 = vector.shape_cast %swap3A_137 : vector<16xi32> to vector<16xi32>
    %swap3A_139 = vector.shape_cast %add3A_135 : vector<16xi32> to vector<16xi32>
    tpu.vector_store %arg6[%swap3A_136], %swap3A_139 {strides = array<i32>} : memref<2048xi32, #tpu.memory_space<vmem>>, vector<16xi32>,
    %get3A_140 = arith.constant 240 : index
    %get3A_141 = tpu.vector_load %arg5[%get3A_140] {strides = array<i32>} : memref<1024xi32, #tpu.memory_space<vmem>>, vector<16xi32>,
    %get3A_142 = vector.shape_cast %get3A_141 : vector<16xi32> to vector<16xi32>
    %add3A_143 = vector.broadcast %mul3A_6 : i32 to vector<16xi32>
    %add3A_144 = arith.addi %get3A_142, %add3A_143 : vector<16xi32>
    %swap3A_145 = arith.constant 240 : index
    %swap3A_146 = tpu.vector_load %arg6[%swap3A_145] {strides = array<i32>} : memref<2048xi32, #tpu.memory_space<vmem>>, vector<16xi32>,
    %swap3A_147 = vector.shape_cast %swap3A_146 : vector<16xi32> to vector<16xi32>
    %swap3A_148 = vector.shape_cast %add3A_144 : vector<16xi32> to vector<16xi32>
    tpu.vector_store %arg6[%swap3A_145], %swap3A_148 {strides = array<i32>} : memref<2048xi32, #tpu.memory_space<vmem>>, vector<16xi32>,
    %get3A_149 = arith.constant 256 : index
    %get3A_150 = tpu.vector_load %arg5[%get3A_149] {strides = array<i32>} : memref<1024xi32, #tpu.memory_space<vmem>>, vector<16xi32>,
    %get3A_151 = vector.shape_cast %get3A_150 : vector<16xi32> to vector<16xi32>
    %add3A_152 = vector.broadcast %mul3A_6 : i32 to vector<16xi32>
    %add3A_153 = arith.addi %get3A_151, %add3A_152 : vector<16xi32>
    %swap3A_154 = arith.constant 256 : index
    %swap3A_155 = tpu.vector_load %arg6[%swap3A_154] {strides = array<i32>} : memref<2048xi32, #tpu.memory_space<vmem>>, vector<16xi32>,
    %swap3A_156 = vector.shape_cast %swap3A_155 : vector<16xi32> to vector<16xi32>
    %swap3A_157 = vector.shape_cast %add3A_153 : vector<16xi32> to vector<16xi32>
    tpu.vector_store %arg6[%swap3A_154], %swap3A_157 {strides = array<i32>} : memref<2048xi32, #tpu.memory_space<vmem>>, vector<16xi32>,
    %get3A_158 = arith.constant 272 : index
    %get3A_159 = tpu.vector_load %arg5[%get3A_158] {strides = array<i32>} : memref<1024xi32, #tpu.memory_space<vmem>>, vector<16xi32>,
    %get3A_160 = vector.shape_cast %get3A_159 : vector<16xi32> to vector<16xi32>
    %add3A_161 = vector.broadcast %mul3A_6 : i32 to vector<16xi32>
    %add3A_162 = arith.addi %get3A_160, %add3A_161 : vector<16xi32>
    %swap3A_163 = arith.constant 272 : index
    %swap3A_164 = tpu.vector_load %arg6[%swap3A_163] {strides = array<i32>} : memref<2048xi32, #tpu.memory_space<vmem>>, vector<16xi32>,
    %swap3A_165 = vector.shape_cast %swap3A_164 : vector<16xi32> to vector<16xi32>
    %swap3A_166 = vector.shape_cast %add3A_162 : vector<16xi32> to vector<16xi32>
    tpu.vector_store %arg6[%swap3A_163], %swap3A_166 {strides = array<i32>} : memref<2048xi32, #tpu.memory_space<vmem>>, vector<16xi32>,
    %get3A_167 = arith.constant 288 : index
    %get3A_168 = tpu.vector_load %arg5[%get3A_167] {strides = array<i32>} : memref<1024xi32, #tpu.memory_space<vmem>>, vector<16xi32>,
    %get3A_169 = vector.shape_cast %get3A_168 : vector<16xi32> to vector<16xi32>
    %add3A_170 = vector.broadcast %mul3A_6 : i32 to vector<16xi32>
    %add3A_171 = arith.addi %get3A_169, %add3A_170 : vector<16xi32>
    %swap3A_172 = arith.constant 288 : index
    %swap3A_173 = tpu.vector_load %arg6[%swap3A_172] {strides = array<i32>} : memref<2048xi32, #tpu.memory_space<vmem>>, vector<16xi32>,
    %swap3A_174 = vector.shape_cast %swap3A_173 : vector<16xi32> to vector<16xi32>
    %swap3A_175 = vector.shape_cast %add3A_171 : vector<16xi32> to vector<16xi32>
    tpu.vector_store %arg6[%swap3A_172], %swap3A_175 {strides = array<i32>} : memref<2048xi32, #tpu.memory_space<vmem>>, vector<16xi32>,
    %get3A_176 = arith.constant 304 : index
    %get3A_177 = tpu.vector_load %arg5[%get3A_176] {strides = array<i32>} : memref<1024xi32, #tpu.memory_space<vmem>>, vector<16xi32>,
    %get3A_178 = vector.shape_cast %get3A_177 : vector<16xi32> to vector<16xi32>
    %add3A_179 = vector.broadcast %mul3A_6 : i32 to vector<16xi32>
    %add3A_180 = arith.addi %get3A_178, %add3A_179 : vector<16xi32>
    %swap3A_181 = arith.constant 304 : index
    %swap3A_182 = tpu.vector_load %arg6[%swap3A_181] {strides = array<i32>} : memref<2048xi32, #tpu.memory_space<vmem>>, vector<16xi32>,
    %swap3A_183 = vector.shape_cast %swap3A_182 : vector<16xi32> to vector<16xi32>
    %swap3A_184 = vector.shape_cast %add3A_180 : vector<16xi32> to vector<16xi32>
    tpu.vector_store %arg6[%swap3A_181], %swap3A_184 {strides = array<i32>} : memref<2048xi32, #tpu.memory_space<vmem>>, vector<16xi32>,
    %get3A_185 = arith.constant 320 : index
    %get3A_186 = tpu.vector_load %arg5[%get3A_185] {strides = array<i32>} : memref<1024xi32, #tpu.memory_space<vmem>>, vector<16xi32>,
    %get3A_187 = vector.shape_cast %get3A_186 : vector<16xi32> to vector<16xi32>
    %add3A_188 = vector.broadcast %mul3A_6 : i32 to vector<16xi32>
    %add3A_189 = arith.addi %get3A_187, %add3A_188 : vector<16xi32>
    %swap3A_190 = arith.constant 320 : index
    %swap3A_191 = tpu.vector_load %arg6[%swap3A_190] {strides = array<i32>} : memref<2048xi32, #tpu.memory_space<vmem>>, vector<16xi32>,
    %swap3A_192 = vector.shape_cast %swap3A_191 : vector<16xi32> to vector<16xi32>
    %swap3A_193 = vector.shape_cast %add3A_189 : vector<16xi32> to vector<16xi32>
    tpu.vector_store %arg6[%swap3A_190], %swap3A_193 {strides = array<i32>} : memref<2048xi32, #tpu.memory_space<vmem>>, vector<16xi32>,
    %get3A_194 = arith.constant 336 : index
    %get3A_195 = tpu.vector_load %arg5[%get3A_194] {strides = array<i32>} : memref<1024xi32, #tpu.memory_space<vmem>>, vector<16xi32>,
    %get3A_196 = vector.shape_cast %get3A_195 : vector<16xi32> to vector<16xi32>
    %add3A_197 = vector.broadcast %mul3A_6 : i32 to vector<16xi32>
    %add3A_198 = arith.addi %get3A_196, %add3A_197 : vector<16xi32>
    %swap3A_199 = arith.constant 336 : index
    %swap3A_200 = tpu.vector_load %arg6[%swap3A_199] {strides = array<i32>} : memref<2048xi32, #tpu.memory_space<vmem>>, vector<16xi32>,
    %swap3A_201 = vector.shape_cast %swap3A_200 : vector<16xi32> to vector<16xi32>
    %swap3A_202 = vector.shape_cast %add3A_198 : vector<16xi32> to vector<16xi32>
    tpu.vector_store %arg6[%swap3A_199], %swap3A_202 {strides = array<i32>} : memref<2048xi32, #tpu.memory_space<vmem>>, vector<16xi32>,
    %get3A_203 = arith.constant 352 : index
    %get3A_204 = tpu.vector_load %arg5[%get3A_203] {strides = array<i32>} : memref<1024xi32, #tpu.memory_space<vmem>>, vector<16xi32>,
    %get3A_205 = vector.shape_cast %get3A_204 : vector<16xi32> to vector<16xi32>
    %add3A_206 = vector.broadcast %mul3A_6 : i32 to vector<16xi32>
    %add3A_207 = arith.addi %get3A_205, %add3A_206 : vector<16xi32>
    %swap3A_208 = arith.constant 352 : index
    %swap3A_209 = tpu.vector_load %arg6[%swap3A_208] {strides = array<i32>} : memref<2048xi32, #tpu.memory_space<vmem>>, vector<16xi32>,
    %swap3A_210 = vector.shape_cast %swap3A_209 : vector<16xi32> to vector<16xi32>
    %swap3A_211 = vector.shape_cast %add3A_207 : vector<16xi32> to vector<16xi32>
    tpu.vector_store %arg6[%swap3A_208], %swap3A_211 {strides = array<i32>} : memref<2048xi32, #tpu.memory_space<vmem>>, vector<16xi32>,
    %get3A_212 = arith.constant 368 : index
    %get3A_213 = tpu.vector_load %arg5[%get3A_212] {strides = array<i32>} : memref<1024xi32, #tpu.memory_space<vmem>>, vector<16xi32>,
    %get3A_214 = vector.shape_cast %get3A_213 : vector<16xi32> to vector<16xi32>
    %add3A_215 = vector.broadcast %mul3A_6 : i32 to vector<16xi32>
    %add3A_216 = arith.addi %get3A_214, %add3A_215 : vector<16xi32>
    %swap3A_217 = arith.constant 368 : index
    %swap3A_218 = tpu.vector_load %arg6[%swap3A_217] {strides = array<i32>} : memref<2048xi32, #tpu.memory_space<vmem>>, vector<16xi32>,
    %swap3A_219 = vector.shape_cast %swap3A_218 : vector<16xi32> to vector<16xi32>
    %swap3A_220 = vector.shape_cast %add3A_216 : vector<16xi32> to vector<16xi32>
    tpu.vector_store %arg6[%swap3A_217], %swap3A_220 {strides = array<i32>} : memref<2048xi32, #tpu.memory_space<vmem>>, vector<16xi32>,
    %get3A_221 = arith.constant 384 : index
    %get3A_222 = tpu.vector_load %arg5[%get3A_221] {strides = array<i32>} : memref<1024xi32, #tpu.memory_space<vmem>>, vector<16xi32>,
    %get3A_223 = vector.shape_cast %get3A_222 : vector<16xi32> to vector<16xi32>
    %add3A_224 = vector.broadcast %mul3A_6 : i32 to vector<16xi32>
    %add3A_225 = arith.addi %get3A_223, %add3A_224 : vector<16xi32>
    %swap3A_226 = arith.constant 384 : index
    %swap3A_227 = tpu.vector_load %arg6[%swap3A_226] {strides = array<i32>} : memref<2048xi32, #tpu.memory_space<vmem>>, vector<16xi32>,
    %swap3A_228 = vector.shape_cast %swap3A_227 : vector<16xi32> to vector<16xi32>
    %swap3A_229 = vector.shape_cast %add3A_225 : vector<16xi32> to vector<16xi32>
    tpu.vector_store %arg6[%swap3A_226], %swap3A_229 {strides = array<i32>} : memref<2048xi32, #tpu.memory_space<vmem>>, vector<16xi32>,
    %get3A_230 = arith.constant 400 : index
    %get3A_231 = tpu.vector_load %arg5[%get3A_230] {strides = array<i32>} : memref<1024xi32, #tpu.memory_space<vmem>>, vector<16xi32>,
    %get3A_232 = vector.shape_cast %get3A_231 : vector<16xi32> to vector<16xi32>
    %add3A_233 = vector.broadcast %mul3A_6 : i32 to vector<16xi32>
    %add3A_234 = arith.addi %get3A_232, %add3A_233 : vector<16xi32>
    %swap3A_235 = arith.constant 400 : index
    %swap3A_236 = tpu.vector_load %arg6[%swap3A_235] {strides = array<i32>} : memref<2048xi32, #tpu.memory_space<vmem>>, vector<16xi32>,
    %swap3A_237 = vector.shape_cast %swap3A_236 : vector<16xi32> to vector<16xi32>
    %swap3A_238 = vector.shape_cast %add3A_234 : vector<16xi32> to vector<16xi32>
    tpu.vector_store %arg6[%swap3A_235], %swap3A_238 {strides = array<i32>} : memref<2048xi32, #tpu.memory_space<vmem>>, vector<16xi32>,
    %get3A_239 = arith.constant 416 : index
    %get3A_240 = tpu.vector_load %arg5[%get3A_239] {strides = array<i32>} : memref<1024xi32, #tpu.memory_space<vmem>>, vector<16xi32>,
    %get3A_241 = vector.shape_cast %get3A_240 : vector<16xi32> to vector<16xi32>
    %add3A_242 = vector.broadcast %mul3A_6 : i32 to vector<16xi32>
    %add3A_243 = arith.addi %get3A_241, %add3A_242 : vector<16xi32>
    %swap3A_244 = arith.constant 416 : index
    %swap3A_245 = tpu.vector_load %arg6[%swap3A_244] {strides = array<i32>} : memref<2048xi32, #tpu.memory_space<vmem>>, vector<16xi32>,
    %swap3A_246 = vector.shape_cast %swap3A_245 : vector<16xi32> to vector<16xi32>
    %swap3A_247 = vector.shape_cast %add3A_243 : vector<16xi32> to vector<16xi32>
    tpu.vector_store %arg6[%swap3A_244], %swap3A_247 {strides = array<i32>} : memref<2048xi32, #tpu.memory_space<vmem>>, vector<16xi32>,
    %get3A_248 = arith.constant 432 : index
    %get3A_249 = tpu.vector_load %arg5[%get3A_248] {strides = array<i32>} : memref<1024xi32, #tpu.memory_space<vmem>>, vector<16xi32>,
    %get3A_250 = vector.shape_cast %get3A_249 : vector<16xi32> to vector<16xi32>
    %add3A_251 = vector.broadcast %mul3A_6 : i32 to vector<16xi32>
    %add3A_252 = arith.addi %get3A_250, %add3A_251 : vector<16xi32>
    %swap3A_253 = arith.constant 432 : index
    %swap3A_254 = tpu.vector_load %arg6[%swap3A_253] {strides = array<i32>} : memref<2048xi32, #tpu.memory_space<vmem>>, vector<16xi32>,
    %swap3A_255 = vector.shape_cast %swap3A_254 : vector<16xi32> to vector<16xi32>
    %swap3A_256 = vector.shape_cast %add3A_252 : vector<16xi32> to vector<16xi32>
    tpu.vector_store %arg6[%swap3A_253], %swap3A_256 {strides = array<i32>} : memref<2048xi32, #tpu.memory_space<vmem>>, vector<16xi32>,
    %get3A_257 = arith.constant 448 : index
    %get3A_258 = tpu.vector_load %arg5[%get3A_257] {strides = array<i32>} : memref<1024xi32, #tpu.memory_space<vmem>>, vector<16xi32>,
    %get3A_259 = vector.shape_cast %get3A_258 : vector<16xi32> to vector<16xi32>
    %add3A_260 = vector.broadcast %mul3A_6 : i32 to vector<16xi32>
    %add3A_261 = arith.addi %get3A_259, %add3A_260 : vector<16xi32>
    %swap3A_262 = arith.constant 448 : index
    %swap3A_263 = tpu.vector_load %arg6[%swap3A_262] {strides = array<i32>} : memref<2048xi32, #tpu.memory_space<vmem>>, vector<16xi32>,
    %swap3A_264 = vector.shape_cast %swap3A_263 : vector<16xi32> to vector<16xi32>
    %swap3A_265 = vector.shape_cast %add3A_261 : vector<16xi32> to vector<16xi32>
    tpu.vector_store %arg6[%swap3A_262], %swap3A_265 {strides = array<i32>} : memref<2048xi32, #tpu.memory_space<vmem>>, vector<16xi32>,
    %get3A_266 = arith.constant 464 : index
    %get3A_267 = tpu.vector_load %arg5[%get3A_266] {strides = array<i32>} : memref<1024xi32, #tpu.memory_space<vmem>>, vector<16xi32>,
    %get3A_268 = vector.shape_cast %get3A_267 : vector<16xi32> to vector<16xi32>
    %add3A_269 = vector.broadcast %mul3A_6 : i32 to vector<16xi32>
    %add3A_270 = arith.addi %get3A_268, %add3A_269 : vector<16xi32>
    %swap3A_271 = arith.constant 464 : index
    %swap3A_272 = tpu.vector_load %arg6[%swap3A_271] {strides = array<i32>} : memref<2048xi32, #tpu.memory_space<vmem>>, vector<16xi32>,
    %swap3A_273 = vector.shape_cast %swap3A_272 : vector<16xi32> to vector<16xi32>
    %swap3A_274 = vector.shape_cast %add3A_270 : vector<16xi32> to vector<16xi32>
    tpu.vector_store %arg6[%swap3A_271], %swap3A_274 {strides = array<i32>} : memref<2048xi32, #tpu.memory_space<vmem>>, vector<16xi32>,
    %get3A_275 = arith.constant 480 : index
    %get3A_276 = tpu.vector_load %arg5[%get3A_275] {strides = array<i32>} : memref<1024xi32, #tpu.memory_space<vmem>>, vector<16xi32>,
    %get3A_277 = vector.shape_cast %get3A_276 : vector<16xi32> to vector<16xi32>
    %add3A_278 = vector.broadcast %mul3A_6 : i32 to vector<16xi32>
    %add3A_279 = arith.addi %get3A_277, %add3A_278 : vector<16xi32>
    %swap3A_280 = arith.constant 480 : index
    %swap3A_281 = tpu.vector_load %arg6[%swap3A_280] {strides = array<i32>} : memref<2048xi32, #tpu.memory_space<vmem>>, vector<16xi32>,
    %swap3A_282 = vector.shape_cast %swap3A_281 : vector<16xi32> to vector<16xi32>
    %swap3A_283 = vector.shape_cast %add3A_279 : vector<16xi32> to vector<16xi32>
    tpu.vector_store %arg6[%swap3A_280], %swap3A_283 {strides = array<i32>} : memref<2048xi32, #tpu.memory_space<vmem>>, vector<16xi32>,
    %get3A_284 = arith.constant 496 : index
    %get3A_285 = tpu.vector_load %arg5[%get3A_284] {strides = array<i32>} : memref<1024xi32, #tpu.memory_space<vmem>>, vector<16xi32>,
    %get3A_286 = vector.shape_cast %get3A_285 : vector<16xi32> to vector<16xi32>
    %add3A_287 = vector.broadcast %mul3A_6 : i32 to vector<16xi32>
    %add3A_288 = arith.addi %get3A_286, %add3A_287 : vector<16xi32>
    %swap3A_289 = arith.constant 496 : index
    %swap3A_290 = tpu.vector_load %arg6[%swap3A_289] {strides = array<i32>} : memref<2048xi32, #tpu.memory_space<vmem>>, vector<16xi32>,
    %swap3A_291 = vector.shape_cast %swap3A_290 : vector<16xi32> to vector<16xi32>
    %swap3A_292 = vector.shape_cast %add3A_288 : vector<16xi32> to vector<16xi32>
    tpu.vector_store %arg6[%swap3A_289], %swap3A_292 {strides = array<i32>} : memref<2048xi32, #tpu.memory_space<vmem>>, vector<16xi32>,
    %get3A_293 = arith.constant 512 : index
    %get3A_294 = tpu.vector_load %arg5[%get3A_293] {strides = array<i32>} : memref<1024xi32, #tpu.memory_space<vmem>>, vector<16xi32>,
    %get3A_295 = vector.shape_cast %get3A_294 : vector<16xi32> to vector<16xi32>
    %add3A_296 = vector.broadcast %mul3A_6 : i32 to vector<16xi32>
    %add3A_297 = arith.addi %get3A_295, %add3A_296 : vector<16xi32>
    %swap3A_298 = arith.constant 512 : index
    %swap3A_299 = tpu.vector_load %arg6[%swap3A_298] {strides = array<i32>} : memref<2048xi32, #tpu.memory_space<vmem>>, vector<16xi32>,
    %swap3A_300 = vector.shape_cast %swap3A_299 : vector<16xi32> to vector<16xi32>
    %swap3A_301 = vector.shape_cast %add3A_297 : vector<16xi32> to vector<16xi32>
    tpu.vector_store %arg6[%swap3A_298], %swap3A_301 {strides = array<i32>} : memref<2048xi32, #tpu.memory_space<vmem>>, vector<16xi32>,
    %get3A_302 = arith.constant 528 : index
    %get3A_303 = tpu.vector_load %arg5[%get3A_302] {strides = array<i32>} : memref<1024xi32, #tpu.memory_space<vmem>>, vector<16xi32>,
    %get3A_304 = vector.shape_cast %get3A_303 : vector<16xi32> to vector<16xi32>
    %add3A_305 = vector.broadcast %mul3A_6 : i32 to vector<16xi32>
    %add3A_306 = arith.addi %get3A_304, %add3A_305 : vector<16xi32>
    %swap3A_307 = arith.constant 528 : index
    %swap3A_308 = tpu.vector_load %arg6[%swap3A_307] {strides = array<i32>} : memref<2048xi32, #tpu.memory_space<vmem>>, vector<16xi32>,
    %swap3A_309 = vector.shape_cast %swap3A_308 : vector<16xi32> to vector<16xi32>
    %swap3A_310 = vector.shape_cast %add3A_306 : vector<16xi32> to vector<16xi32>
    tpu.vector_store %arg6[%swap3A_307], %swap3A_310 {strides = array<i32>} : memref<2048xi32, #tpu.memory_space<vmem>>, vector<16xi32>,
    %get3A_311 = arith.constant 544 : index
    %get3A_312 = tpu.vector_load %arg5[%get3A_311] {strides = array<i32>} : memref<1024xi32, #tpu.memory_space<vmem>>, vector<16xi32>,
    %get3A_313 = vector.shape_cast %get3A_312 : vector<16xi32> to vector<16xi32>
    %add3A_314 = vector.broadcast %mul3A_6 : i32 to vector<16xi32>
    %add3A_315 = arith.addi %get3A_313, %add3A_314 : vector<16xi32>
    %swap3A_316 = arith.constant 544 : index
    %swap3A_317 = tpu.vector_load %arg6[%swap3A_316] {strides = array<i32>} : memref<2048xi32, #tpu.memory_space<vmem>>, vector<16xi32>,
    %swap3A_318 = vector.shape_cast %swap3A_317 : vector<16xi32> to vector<16xi32>
    %swap3A_319 = vector.shape_cast %add3A_315 : vector<16xi32> to vector<16xi32>
    tpu.vector_store %arg6[%swap3A_316], %swap3A_319 {strides = array<i32>} : memref<2048xi32, #tpu.memory_space<vmem>>, vector<16xi32>,
    %get3A_320 = arith.constant 560 : index
    %get3A_321 = tpu.vector_load %arg5[%get3A_320] {strides = array<i32>} : memref<1024xi32, #tpu.memory_space<vmem>>, vector<16xi32>,
    %get3A_322 = vector.shape_cast %get3A_321 : vector<16xi32> to vector<16xi32>
    %add3A_323 = vector.broadcast %mul3A_6 : i32 to vector<16xi32>
    %add3A_324 = arith.addi %get3A_322, %add3A_323 : vector<16xi32>
    %swap3A_325 = arith.constant 560 : index
    %swap3A_326 = tpu.vector_load %arg6[%swap3A_325] {strides = array<i32>} : memref<2048xi32, #tpu.memory_space<vmem>>, vector<16xi32>,
    %swap3A_327 = vector.shape_cast %swap3A_326 : vector<16xi32> to vector<16xi32>
    %swap3A_328 = vector.shape_cast %add3A_324 : vector<16xi32> to vector<16xi32>
    tpu.vector_store %arg6[%swap3A_325], %swap3A_328 {strides = array<i32>} : memref<2048xi32, #tpu.memory_space<vmem>>, vector<16xi32>,
    %get3A_329 = arith.constant 576 : index
    %get3A_330 = tpu.vector_load %arg5[%get3A_329] {strides = array<i32>} : memref<1024xi32, #tpu.memory_space<vmem>>, vector<16xi32>,
    %get3A_331 = vector.shape_cast %get3A_330 : vector<16xi32> to vector<16xi32>
    %add3A_332 = vector.broadcast %mul3A_6 : i32 to vector<16xi32>
    %add3A_333 = arith.addi %get3A_331, %add3A_332 : vector<16xi32>
    %swap3A_334 = arith.constant 576 : index
    %swap3A_335 = tpu.vector_load %arg6[%swap3A_334] {strides = array<i32>} : memref<2048xi32, #tpu.memory_space<vmem>>, vector<16xi32>,
    %swap3A_336 = vector.shape_cast %swap3A_335 : vector<16xi32> to vector<16xi32>
    %swap3A_337 = vector.shape_cast %add3A_333 : vector<16xi32> to vector<16xi32>
    tpu.vector_store %arg6[%swap3A_334], %swap3A_337 {strides = array<i32>} : memref<2048xi32, #tpu.memory_space<vmem>>, vector<16xi32>,
    %get3A_338 = arith.constant 592 : index
    %get3A_339 = tpu.vector_load %arg5[%get3A_338] {strides = array<i32>} : memref<1024xi32, #tpu.memory_space<vmem>>, vector<16xi32>,
    %get3A_340 = vector.shape_cast %get3A_339 : vector<16xi32> to vector<16xi32>
    %add3A_341 = vector.broadcast %mul3A_6 : i32 to vector<16xi32>
    %add3A_342 = arith.addi %get3A_340, %add3A_341 : vector<16xi32>
    %swap3A_343 = arith.constant 592 : index
    %swap3A_344 = tpu.vector_load %arg6[%swap3A_343] {strides = array<i32>} : memref<2048xi32, #tpu.memory_space<vmem>>, vector<16xi32>,
    %swap3A_345 = vector.shape_cast %swap3A_344 : vector<16xi32> to vector<16xi32>
    %swap3A_346 = vector.shape_cast %add3A_342 : vector<16xi32> to vector<16xi32>
    tpu.vector_store %arg6[%swap3A_343], %swap3A_346 {strides = array<i32>} : memref<2048xi32, #tpu.memory_space<vmem>>, vector<16xi32>,
    %get3A_347 = arith.constant 608 : index
    %get3A_348 = tpu.vector_load %arg5[%get3A_347] {strides = array<i32>} : memref<1024xi32, #tpu.memory_space<vmem>>, vector<16xi32>,
    %get3A_349 = vector.shape_cast %get3A_348 : vector<16xi32> to vector<16xi32>
    %add3A_350 = vector.broadcast %mul3A_6 : i32 to vector<16xi32>
    %add3A_351 = arith.addi %get3A_349, %add3A_350 : vector<16xi32>
    %swap3A_352 = arith.constant 608 : index
    %swap3A_353 = tpu.vector_load %arg6[%swap3A_352] {strides = array<i32>} : memref<2048xi32, #tpu.memory_space<vmem>>, vector<16xi32>,
    %swap3A_354 = vector.shape_cast %swap3A_353 : vector<16xi32> to vector<16xi32>
    %swap3A_355 = vector.shape_cast %add3A_351 : vector<16xi32> to vector<16xi32>
    tpu.vector_store %arg6[%swap3A_352], %swap3A_355 {strides = array<i32>} : memref<2048xi32, #tpu.memory_space<vmem>>, vector<16xi32>,
    %get3A_356 = arith.constant 624 : index
    %get3A_357 = tpu.vector_load %arg5[%get3A_356] {strides = array<i32>} : memref<1024xi32, #tpu.memory_space<vmem>>, vector<16xi32>,
    %get3A_358 = vector.shape_cast %get3A_357 : vector<16xi32> to vector<16xi32>
    %add3A_359 = vector.broadcast %mul3A_6 : i32 to vector<16xi32>
    %add3A_360 = arith.addi %get3A_358, %add3A_359 : vector<16xi32>
    %swap3A_361 = arith.constant 624 : index
    %swap3A_362 = tpu.vector_load %arg6[%swap3A_361] {strides = array<i32>} : memref<2048xi32, #tpu.memory_space<vmem>>, vector<16xi32>,
    %swap3A_363 = vector.shape_cast %swap3A_362 : vector<16xi32> to vector<16xi32>
    %swap3A_364 = vector.shape_cast %add3A_360 : vector<16xi32> to vector<16xi32>
    tpu.vector_store %arg6[%swap3A_361], %swap3A_364 {strides = array<i32>} : memref<2048xi32, #tpu.memory_space<vmem>>, vector<16xi32>,
    %get3A_365 = arith.constant 640 : index
    %get3A_366 = tpu.vector_load %arg5[%get3A_365] {strides = array<i32>} : memref<1024xi32, #tpu.memory_space<vmem>>, vector<16xi32>,
    %get3A_367 = vector.shape_cast %get3A_366 : vector<16xi32> to vector<16xi32>
    %add3A_368 = vector.broadcast %mul3A_6 : i32 to vector<16xi32>
    %add3A_369 = arith.addi %get3A_367, %add3A_368 : vector<16xi32>
    %swap3A_370 = arith.constant 640 : index
    %swap3A_371 = tpu.vector_load %arg6[%swap3A_370] {strides = array<i32>} : memref<2048xi32, #tpu.memory_space<vmem>>, vector<16xi32>,
    %swap3A_372 = vector.shape_cast %swap3A_371 : vector<16xi32> to vector<16xi32>
    %swap3A_373 = vector.shape_cast %add3A_369 : vector<16xi32> to vector<16xi32>
    tpu.vector_store %arg6[%swap3A_370], %swap3A_373 {strides = array<i32>} : memref<2048xi32, #tpu.memory_space<vmem>>, vector<16xi32>,
    %get3A_374 = arith.constant 656 : index
    %get3A_375 = tpu.vector_load %arg5[%get3A_374] {strides = array<i32>} : memref<1024xi32, #tpu.memory_space<vmem>>, vector<16xi32>,
    %get3A_376 = vector.shape_cast %get3A_375 : vector<16xi32> to vector<16xi32>
    %add3A_377 = vector.broadcast %mul3A_6 : i32 to vector<16xi32>
    %add3A_378 = arith.addi %get3A_376, %add3A_377 : vector<16xi32>
    %swap3A_379 = arith.constant 656 : index
    %swap3A_380 = tpu.vector_load %arg6[%swap3A_379] {strides = array<i32>} : memref<2048xi32, #tpu.memory_space<vmem>>, vector<16xi32>,
    %swap3A_381 = vector.shape_cast %swap3A_380 : vector<16xi32> to vector<16xi32>
    %swap3A_382 = vector.shape_cast %add3A_378 : vector<16xi32> to vector<16xi32>
    tpu.vector_store %arg6[%swap3A_379], %swap3A_382 {strides = array<i32>} : memref<2048xi32, #tpu.memory_space<vmem>>, vector<16xi32>,
    %get3A_383 = arith.constant 672 : index
    %get3A_384 = tpu.vector_load %arg5[%get3A_383] {strides = array<i32>} : memref<1024xi32, #tpu.memory_space<vmem>>, vector<16xi32>,
    %get3A_385 = vector.shape_cast %get3A_384 : vector<16xi32> to vector<16xi32>
    %add3A_386 = vector.broadcast %mul3A_6 : i32 to vector<16xi32>
    %add3A_387 = arith.addi %get3A_385, %add3A_386 : vector<16xi32>
    %swap3A_388 = arith.constant 672 : index
    %swap3A_389 = tpu.vector_load %arg6[%swap3A_388] {strides = array<i32>} : memref<2048xi32, #tpu.memory_space<vmem>>, vector<16xi32>,
    %swap3A_390 = vector.shape_cast %swap3A_389 : vector<16xi32> to vector<16xi32>
    %swap3A_391 = vector.shape_cast %add3A_387 : vector<16xi32> to vector<16xi32>
    tpu.vector_store %arg6[%swap3A_388], %swap3A_391 {strides = array<i32>} : memref<2048xi32, #tpu.memory_space<vmem>>, vector<16xi32>,
    %get3A_392 = arith.constant 688 : index
    %get3A_393 = tpu.vector_load %arg5[%get3A_392] {strides = array<i32>} : memref<1024xi32, #tpu.memory_space<vmem>>, vector<16xi32>,
    %get3A_394 = vector.shape_cast %get3A_393 : vector<16xi32> to vector<16xi32>
    %add3A_395 = vector.broadcast %mul3A_6 : i32 to vector<16xi32>
    %add3A_396 = arith.addi %get3A_394, %add3A_395 : vector<16xi32>
    %swap3A_397 = arith.constant 688 : index
    %swap3A_398 = tpu.vector_load %arg6[%swap3A_397] {strides = array<i32>} : memref<2048xi32, #tpu.memory_space<vmem>>, vector<16xi32>,
    %swap3A_399 = vector.shape_cast %swap3A_398 : vector<16xi32> to vector<16xi32>
    %swap3A_400 = vector.shape_cast %add3A_396 : vector<16xi32> to vector<16xi32>
    tpu.vector_store %arg6[%swap3A_397], %swap3A_400 {strides = array<i32>} : memref<2048xi32, #tpu.memory_space<vmem>>, vector<16xi32>,
    %get3A_401 = arith.constant 704 : index
    %get3A_402 = tpu.vector_load %arg5[%get3A_401] {strides = array<i32>} : memref<1024xi32, #tpu.memory_space<vmem>>, vector<16xi32>,
    %get3A_403 = vector.shape_cast %get3A_402 : vector<16xi32> to vector<16xi32>
    %add3A_404 = vector.broadcast %mul3A_6 : i32 to vector<16xi32>
    %add3A_405 = arith.addi %get3A_403, %add3A_404 : vector<16xi32>
    %swap3A_406 = arith.constant 704 : index
    %swap3A_407 = tpu.vector_load %arg6[%swap3A_406] {strides = array<i32>} : memref<2048xi32, #tpu.memory_space<vmem>>, vector<16xi32>,
    %swap3A_408 = vector.shape_cast %swap3A_407 : vector<16xi32> to vector<16xi32>
    %swap3A_409 = vector.shape_cast %add3A_405 : vector<16xi32> to vector<16xi32>
    tpu.vector_store %arg6[%swap3A_406], %swap3A_409 {strides = array<i32>} : memref<2048xi32, #tpu.memory_space<vmem>>, vector<16xi32>,
    %get3A_410 = arith.constant 720 : index
    %get3A_411 = tpu.vector_load %arg5[%get3A_410] {strides = array<i32>} : memref<1024xi32, #tpu.memory_space<vmem>>, vector<16xi32>,
    %get3A_412 = vector.shape_cast %get3A_411 : vector<16xi32> to vector<16xi32>
    %add3A_413 = vector.broadcast %mul3A_6 : i32 to vector<16xi32>
    %add3A_414 = arith.addi %get3A_412, %add3A_413 : vector<16xi32>
    %swap3A_415 = arith.constant 720 : index
    %swap3A_416 = tpu.vector_load %arg6[%swap3A_415] {strides = array<i32>} : memref<2048xi32, #tpu.memory_space<vmem>>, vector<16xi32>,
    %swap3A_417 = vector.shape_cast %swap3A_416 : vector<16xi32> to vector<16xi32>
    %swap3A_418 = vector.shape_cast %add3A_414 : vector<16xi32> to vector<16xi32>
    tpu.vector_store %arg6[%swap3A_415], %swap3A_418 {strides = array<i32>} : memref<2048xi32, #tpu.memory_space<vmem>>, vector<16xi32>,
    %get3A_419 = arith.constant 736 : index
    %get3A_420 = tpu.vector_load %arg5[%get3A_419] {strides = array<i32>} : memref<1024xi32, #tpu.memory_space<vmem>>, vector<16xi32>,
    %get3A_421 = vector.shape_cast %get3A_420 : vector<16xi32> to vector<16xi32>
    %add3A_422 = vector.broadcast %mul3A_6 : i32 to vector<16xi32>
    %add3A_423 = arith.addi %get3A_421, %add3A_422 : vector<16xi32>
    %swap3A_424 = arith.constant 736 : index
    %swap3A_425 = tpu.vector_load %arg6[%swap3A_424] {strides = array<i32>} : memref<2048xi32, #tpu.memory_space<vmem>>, vector<16xi32>,
    %swap3A_426 = vector.shape_cast %swap3A_425 : vector<16xi32> to vector<16xi32>
    %swap3A_427 = vector.shape_cast %add3A_423 : vector<16xi32> to vector<16xi32>
    tpu.vector_store %arg6[%swap3A_424], %swap3A_427 {strides = array<i32>} : memref<2048xi32, #tpu.memory_space<vmem>>, vector<16xi32>,
    %get3A_428 = arith.constant 752 : index
    %get3A_429 = tpu.vector_load %arg5[%get3A_428] {strides = array<i32>} : memref<1024xi32, #tpu.memory_space<vmem>>, vector<16xi32>,
    %get3A_430 = vector.shape_cast %get3A_429 : vector<16xi32> to vector<16xi32>
    %add3A_431 = vector.broadcast %mul3A_6 : i32 to vector<16xi32>
    %add3A_432 = arith.addi %get3A_430, %add3A_431 : vector<16xi32>
    %swap3A_433 = arith.constant 752 : index
    %swap3A_434 = tpu.vector_load %arg6[%swap3A_433] {strides = array<i32>} : memref<2048xi32, #tpu.memory_space<vmem>>, vector<16xi32>,
    %swap3A_435 = vector.shape_cast %swap3A_434 : vector<16xi32> to vector<16xi32>
    %swap3A_436 = vector.shape_cast %add3A_432 : vector<16xi32> to vector<16xi32>
    tpu.vector_store %arg6[%swap3A_433], %swap3A_436 {strides = array<i32>} : memref<2048xi32, #tpu.memory_space<vmem>>, vector<16xi32>,
    %get3A_437 = arith.constant 768 : index
    %get3A_438 = tpu.vector_load %arg5[%get3A_437] {strides = array<i32>} : memref<1024xi32, #tpu.memory_space<vmem>>, vector<16xi32>,
    %get3A_439 = vector.shape_cast %get3A_438 : vector<16xi32> to vector<16xi32>
    %add3A_440 = vector.broadcast %mul3A_6 : i32 to vector<16xi32>
    %add3A_441 = arith.addi %get3A_439, %add3A_440 : vector<16xi32>
    %swap3A_442 = arith.constant 768 : index
    %swap3A_443 = tpu.vector_load %arg6[%swap3A_442] {strides = array<i32>} : memref<2048xi32, #tpu.memory_space<vmem>>, vector<16xi32>,
    %swap3A_444 = vector.shape_cast %swap3A_443 : vector<16xi32> to vector<16xi32>
    %swap3A_445 = vector.shape_cast %add3A_441 : vector<16xi32> to vector<16xi32>
    tpu.vector_store %arg6[%swap3A_442], %swap3A_445 {strides = array<i32>} : memref<2048xi32, #tpu.memory_space<vmem>>, vector<16xi32>,
    %get3A_446 = arith.constant 784 : index
    %get3A_447 = tpu.vector_load %arg5[%get3A_446] {strides = array<i32>} : memref<1024xi32, #tpu.memory_space<vmem>>, vector<16xi32>,
    %get3A_448 = vector.shape_cast %get3A_447 : vector<16xi32> to vector<16xi32>
    %add3A_449 = vector.broadcast %mul3A_6 : i32 to vector<16xi32>
    %add3A_450 = arith.addi %get3A_448, %add3A_449 : vector<16xi32>
    %swap3A_451 = arith.constant 784 : index
    %swap3A_452 = tpu.vector_load %arg6[%swap3A_451] {strides = array<i32>} : memref<2048xi32, #tpu.memory_space<vmem>>, vector<16xi32>,
    %swap3A_453 = vector.shape_cast %swap3A_452 : vector<16xi32> to vector<16xi32>
    %swap3A_454 = vector.shape_cast %add3A_450 : vector<16xi32> to vector<16xi32>
    tpu.vector_store %arg6[%swap3A_451], %swap3A_454 {strides = array<i32>} : memref<2048xi32, #tpu.memory_space<vmem>>, vector<16xi32>,
    %get3A_455 = arith.constant 800 : index
    %get3A_456 = tpu.vector_load %arg5[%get3A_455] {strides = array<i32>} : memref<1024xi32, #tpu.memory_space<vmem>>, vector<16xi32>,
    %get3A_457 = vector.shape_cast %get3A_456 : vector<16xi32> to vector<16xi32>
    %add3A_458 = vector.broadcast %mul3A_6 : i32 to vector<16xi32>
    %add3A_459 = arith.addi %get3A_457, %add3A_458 : vector<16xi32>
    %swap3A_460 = arith.constant 800 : index
    %swap3A_461 = tpu.vector_load %arg6[%swap3A_460] {strides = array<i32>} : memref<2048xi32, #tpu.memory_space<vmem>>, vector<16xi32>,
    %swap3A_462 = vector.shape_cast %swap3A_461 : vector<16xi32> to vector<16xi32>
    %swap3A_463 = vector.shape_cast %add3A_459 : vector<16xi32> to vector<16xi32>
    tpu.vector_store %arg6[%swap3A_460], %swap3A_463 {strides = array<i32>} : memref<2048xi32, #tpu.memory_space<vmem>>, vector<16xi32>,
    %get3A_464 = arith.constant 816 : index
    %get3A_465 = tpu.vector_load %arg5[%get3A_464] {strides = array<i32>} : memref<1024xi32, #tpu.memory_space<vmem>>, vector<16xi32>,
    %get3A_466 = vector.shape_cast %get3A_465 : vector<16xi32> to vector<16xi32>
    %add3A_467 = vector.broadcast %mul3A_6 : i32 to vector<16xi32>
    %add3A_468 = arith.addi %get3A_466, %add3A_467 : vector<16xi32>
    %swap3A_469 = arith.constant 816 : index
    %swap3A_470 = tpu.vector_load %arg6[%swap3A_469] {strides = array<i32>} : memref<2048xi32, #tpu.memory_space<vmem>>, vector<16xi32>,
    %swap3A_471 = vector.shape_cast %swap3A_470 : vector<16xi32> to vector<16xi32>
    %swap3A_472 = vector.shape_cast %add3A_468 : vector<16xi32> to vector<16xi32>
    tpu.vector_store %arg6[%swap3A_469], %swap3A_472 {strides = array<i32>} : memref<2048xi32, #tpu.memory_space<vmem>>, vector<16xi32>,
    %get3A_473 = arith.constant 832 : index
    %get3A_474 = tpu.vector_load %arg5[%get3A_473] {strides = array<i32>} : memref<1024xi32, #tpu.memory_space<vmem>>, vector<16xi32>,
    %get3A_475 = vector.shape_cast %get3A_474 : vector<16xi32> to vector<16xi32>
    %add3A_476 = vector.broadcast %mul3A_6 : i32 to vector<16xi32>
    %add3A_477 = arith.addi %get3A_475, %add3A_476 : vector<16xi32>
    %swap3A_478 = arith.constant 832 : index
    %swap3A_479 = tpu.vector_load %arg6[%swap3A_478] {strides = array<i32>} : memref<2048xi32, #tpu.memory_space<vmem>>, vector<16xi32>,
    %swap3A_480 = vector.shape_cast %swap3A_479 : vector<16xi32> to vector<16xi32>
    %swap3A_481 = vector.shape_cast %add3A_477 : vector<16xi32> to vector<16xi32>
    tpu.vector_store %arg6[%swap3A_478], %swap3A_481 {strides = array<i32>} : memref<2048xi32, #tpu.memory_space<vmem>>, vector<16xi32>,
    %get3A_482 = arith.constant 848 : index
    %get3A_483 = tpu.vector_load %arg5[%get3A_482] {strides = array<i32>} : memref<1024xi32, #tpu.memory_space<vmem>>, vector<16xi32>,
    %get3A_484 = vector.shape_cast %get3A_483 : vector<16xi32> to vector<16xi32>
    %add3A_485 = vector.broadcast %mul3A_6 : i32 to vector<16xi32>
    %add3A_486 = arith.addi %get3A_484, %add3A_485 : vector<16xi32>
    %swap3A_487 = arith.constant 848 : index
    %swap3A_488 = tpu.vector_load %arg6[%swap3A_487] {strides = array<i32>} : memref<2048xi32, #tpu.memory_space<vmem>>, vector<16xi32>,
    %swap3A_489 = vector.shape_cast %swap3A_488 : vector<16xi32> to vector<16xi32>
    %swap3A_490 = vector.shape_cast %add3A_486 : vector<16xi32> to vector<16xi32>
    tpu.vector_store %arg6[%swap3A_487], %swap3A_490 {strides = array<i32>} : memref<2048xi32, #tpu.memory_space<vmem>>, vector<16xi32>,
    %get3A_491 = arith.constant 864 : index
    %get3A_492 = tpu.vector_load %arg5[%get3A_491] {strides = array<i32>} : memref<1024xi32, #tpu.memory_space<vmem>>, vector<16xi32>,
    %get3A_493 = vector.shape_cast %get3A_492 : vector<16xi32> to vector<16xi32>
    %add3A_494 = vector.broadcast %mul3A_6 : i32 to vector<16xi32>
    %add3A_495 = arith.addi %get3A_493, %add3A_494 : vector<16xi32>
    %swap3A_496 = arith.constant 864 : index
    %swap3A_497 = tpu.vector_load %arg6[%swap3A_496] {strides = array<i32>} : memref<2048xi32, #tpu.memory_space<vmem>>, vector<16xi32>,
    %swap3A_498 = vector.shape_cast %swap3A_497 : vector<16xi32> to vector<16xi32>
    %swap3A_499 = vector.shape_cast %add3A_495 : vector<16xi32> to vector<16xi32>
    tpu.vector_store %arg6[%swap3A_496], %swap3A_499 {strides = array<i32>} : memref<2048xi32, #tpu.memory_space<vmem>>, vector<16xi32>,
    %get3A_500 = arith.constant 880 : index
    %get3A_501 = tpu.vector_load %arg5[%get3A_500] {strides = array<i32>} : memref<1024xi32, #tpu.memory_space<vmem>>, vector<16xi32>,
    %get3A_502 = vector.shape_cast %get3A_501 : vector<16xi32> to vector<16xi32>
    %add3A_503 = vector.broadcast %mul3A_6 : i32 to vector<16xi32>
    %add3A_504 = arith.addi %get3A_502, %add3A_503 : vector<16xi32>
    %swap3A_505 = arith.constant 880 : index
    %swap3A_506 = tpu.vector_load %arg6[%swap3A_505] {strides = array<i32>} : memref<2048xi32, #tpu.memory_space<vmem>>, vector<16xi32>,
    %swap3A_507 = vector.shape_cast %swap3A_506 : vector<16xi32> to vector<16xi32>
    %swap3A_508 = vector.shape_cast %add3A_504 : vector<16xi32> to vector<16xi32>
    tpu.vector_store %arg6[%swap3A_505], %swap3A_508 {strides = array<i32>} : memref<2048xi32, #tpu.memory_space<vmem>>, vector<16xi32>,
    %get3A_509 = arith.constant 896 : index
    %get3A_510 = tpu.vector_load %arg5[%get3A_509] {strides = array<i32>} : memref<1024xi32, #tpu.memory_space<vmem>>, vector<16xi32>,
    %get3A_511 = vector.shape_cast %get3A_510 : vector<16xi32> to vector<16xi32>
    %add3A_512 = vector.broadcast %mul3A_6 : i32 to vector<16xi32>
    %add3A_513 = arith.addi %get3A_511, %add3A_512 : vector<16xi32>
    %swap3A_514 = arith.constant 896 : index
    %swap3A_515 = tpu.vector_load %arg6[%swap3A_514] {strides = array<i32>} : memref<2048xi32, #tpu.memory_space<vmem>>, vector<16xi32>,
    %swap3A_516 = vector.shape_cast %swap3A_515 : vector<16xi32> to vector<16xi32>
    %swap3A_517 = vector.shape_cast %add3A_513 : vector<16xi32> to vector<16xi32>
    tpu.vector_store %arg6[%swap3A_514], %swap3A_517 {strides = array<i32>} : memref<2048xi32, #tpu.memory_space<vmem>>, vector<16xi32>,
    %get3A_518 = arith.constant 912 : index
    %get3A_519 = tpu.vector_load %arg5[%get3A_518] {strides = array<i32>} : memref<1024xi32, #tpu.memory_space<vmem>>, vector<16xi32>,
    %get3A_520 = vector.shape_cast %get3A_519 : vector<16xi32> to vector<16xi32>
    %add3A_521 = vector.broadcast %mul3A_6 : i32 to vector<16xi32>
    %add3A_522 = arith.addi %get3A_520, %add3A_521 : vector<16xi32>
    %swap3A_523 = arith.constant 912 : index
    %swap3A_524 = tpu.vector_load %arg6[%swap3A_523] {strides = array<i32>} : memref<2048xi32, #tpu.memory_space<vmem>>, vector<16xi32>,
    %swap3A_525 = vector.shape_cast %swap3A_524 : vector<16xi32> to vector<16xi32>
    %swap3A_526 = vector.shape_cast %add3A_522 : vector<16xi32> to vector<16xi32>
    tpu.vector_store %arg6[%swap3A_523], %swap3A_526 {strides = array<i32>} : memref<2048xi32, #tpu.memory_space<vmem>>, vector<16xi32>,
    %get3A_527 = arith.constant 928 : index
    %get3A_528 = tpu.vector_load %arg5[%get3A_527] {strides = array<i32>} : memref<1024xi32, #tpu.memory_space<vmem>>, vector<16xi32>,
    %get3A_529 = vector.shape_cast %get3A_528 : vector<16xi32> to vector<16xi32>
    %add3A_530 = vector.broadcast %mul3A_6 : i32 to vector<16xi32>
    %add3A_531 = arith.addi %get3A_529, %add3A_530 : vector<16xi32>
    %swap3A_532 = arith.constant 928 : index
    %swap3A_533 = tpu.vector_load %arg6[%swap3A_532] {strides = array<i32>} : memref<2048xi32, #tpu.memory_space<vmem>>, vector<16xi32>,
    %swap3A_534 = vector.shape_cast %swap3A_533 : vector<16xi32> to vector<16xi32>
    %swap3A_535 = vector.shape_cast %add3A_531 : vector<16xi32> to vector<16xi32>
    tpu.vector_store %arg6[%swap3A_532], %swap3A_535 {strides = array<i32>} : memref<2048xi32, #tpu.memory_space<vmem>>, vector<16xi32>,
    %get3A_536 = arith.constant 944 : index
    %get3A_537 = tpu.vector_load %arg5[%get3A_536] {strides = array<i32>} : memref<1024xi32, #tpu.memory_space<vmem>>, vector<16xi32>,
    %get3A_538 = vector.shape_cast %get3A_537 : vector<16xi32> to vector<16xi32>
    %add3A_539 = vector.broadcast %mul3A_6 : i32 to vector<16xi32>
    %add3A_540 = arith.addi %get3A_538, %add3A_539 : vector<16xi32>
    %swap3A_541 = arith.constant 944 : index
    %swap3A_542 = tpu.vector_load %arg6[%swap3A_541] {strides = array<i32>} : memref<2048xi32, #tpu.memory_space<vmem>>, vector<16xi32>,
    %swap3A_543 = vector.shape_cast %swap3A_542 : vector<16xi32> to vector<16xi32>
    %swap3A_544 = vector.shape_cast %add3A_540 : vector<16xi32> to vector<16xi32>
    tpu.vector_store %arg6[%swap3A_541], %swap3A_544 {strides = array<i32>} : memref<2048xi32, #tpu.memory_space<vmem>>, vector<16xi32>,
    %get3A_545 = arith.constant 960 : index
    %get3A_546 = tpu.vector_load %arg5[%get3A_545] {strides = array<i32>} : memref<1024xi32, #tpu.memory_space<vmem>>, vector<16xi32>,
    %get3A_547 = vector.shape_cast %get3A_546 : vector<16xi32> to vector<16xi32>
    %add3A_548 = vector.broadcast %mul3A_6 : i32 to vector<16xi32>
    %add3A_549 = arith.addi %get3A_547, %add3A_548 : vector<16xi32>
    %swap3A_550 = arith.constant 960 : index
    %swap3A_551 = tpu.vector_load %arg6[%swap3A_550] {strides = array<i32>} : memref<2048xi32, #tpu.memory_space<vmem>>, vector<16xi32>,
    %swap3A_552 = vector.shape_cast %swap3A_551 : vector<16xi32> to vector<16xi32>
    %swap3A_553 = vector.shape_cast %add3A_549 : vector<16xi32> to vector<16xi32>
    tpu.vector_store %arg6[%swap3A_550], %swap3A_553 {strides = array<i32>} : memref<2048xi32, #tpu.memory_space<vmem>>, vector<16xi32>,
    %get3A_554 = arith.constant 976 : index
    %get3A_555 = tpu.vector_load %arg5[%get3A_554] {strides = array<i32>} : memref<1024xi32, #tpu.memory_space<vmem>>, vector<16xi32>,
    %get3A_556 = vector.shape_cast %get3A_555 : vector<16xi32> to vector<16xi32>
    %add3A_557 = vector.broadcast %mul3A_6 : i32 to vector<16xi32>
    %add3A_558 = arith.addi %get3A_556, %add3A_557 : vector<16xi32>
    %swap3A_559 = arith.constant 976 : index
    %swap3A_560 = tpu.vector_load %arg6[%swap3A_559] {strides = array<i32>} : memref<2048xi32, #tpu.memory_space<vmem>>, vector<16xi32>,
    %swap3A_561 = vector.shape_cast %swap3A_560 : vector<16xi32> to vector<16xi32>
    %swap3A_562 = vector.shape_cast %add3A_558 : vector<16xi32> to vector<16xi32>
    tpu.vector_store %arg6[%swap3A_559], %swap3A_562 {strides = array<i32>} : memref<2048xi32, #tpu.memory_space<vmem>>, vector<16xi32>,
    %get3A_563 = arith.constant 992 : index
    %get3A_564 = tpu.vector_load %arg5[%get3A_563] {strides = array<i32>} : memref<1024xi32, #tpu.memory_space<vmem>>, vector<16xi32>,
    %get3A_565 = vector.shape_cast %get3A_564 : vector<16xi32> to vector<16xi32>
    %add3A_566 = vector.broadcast %mul3A_6 : i32 to vector<16xi32>
    %add3A_567 = arith.addi %get3A_565, %add3A_566 : vector<16xi32>
    %swap3A_568 = arith.constant 992 : index
    %swap3A_569 = tpu.vector_load %arg6[%swap3A_568] {strides = array<i32>} : memref<2048xi32, #tpu.memory_space<vmem>>, vector<16xi32>,
    %swap3A_570 = vector.shape_cast %swap3A_569 : vector<16xi32> to vector<16xi32>
    %swap3A_571 = vector.shape_cast %add3A_567 : vector<16xi32> to vector<16xi32>
    tpu.vector_store %arg6[%swap3A_568], %swap3A_571 {strides = array<i32>} : memref<2048xi32, #tpu.memory_space<vmem>>, vector<16xi32>,
    %get3A_572 = arith.constant 1008 : index
    %get3A_573 = tpu.vector_load %arg5[%get3A_572] {strides = array<i32>} : memref<1024xi32, #tpu.memory_space<vmem>>, vector<16xi32>,
    %get3A_574 = vector.shape_cast %get3A_573 : vector<16xi32> to vector<16xi32>
    %add3A_575 = vector.broadcast %mul3A_6 : i32 to vector<16xi32>
    %add3A_576 = arith.addi %get3A_574, %add3A_575 : vector<16xi32>
    %swap3A_577 = arith.constant 1008 : index
    %swap3A_578 = tpu.vector_load %arg6[%swap3A_577] {strides = array<i32>} : memref<2048xi32, #tpu.memory_space<vmem>>, vector<16xi32>,
    %swap3A_579 = vector.shape_cast %swap3A_578 : vector<16xi32> to vector<16xi32>
    %swap3A_580 = vector.shape_cast %add3A_576 : vector<16xi32> to vector<16xi32>
    tpu.vector_store %arg6[%swap3A_577], %swap3A_580 {strides = array<i32>} : memref<2048xi32, #tpu.memory_space<vmem>>, vector<16xi32>,
    %add3A_581 = arith.constant 1 : i32
    %add3A_582 = arith.addi %mul3A_2, %add3A_581 : i32
    %mul3A_583 = arith.constant 100000 : i32
    %mul3A_584 = arith.muli %add3A_582, %mul3A_583 : i32
    %get3A_585 = arith.constant 0 : index
    %get3A_586 = tpu.vector_load %arg5[%get3A_585] {strides = array<i32>} : memref<1024xi32, #tpu.memory_space<vmem>>, vector<16xi32>,
    %get3A_587 = vector.shape_cast %get3A_586 : vector<16xi32> to vector<16xi32>
    %add3A_588 = vector.broadcast %mul3A_584 : i32 to vector<16xi32>
    %add3A_589 = arith.addi %get3A_587, %add3A_588 : vector<16xi32>
    %swap3A_590 = arith.constant 1024 : index
    %swap3A_591 = tpu.vector_load %arg6[%swap3A_590] {strides = array<i32>} : memref<2048xi32, #tpu.memory_space<vmem>>, vector<16xi32>,
    %swap3A_592 = vector.shape_cast %swap3A_591 : vector<16xi32> to vector<16xi32>
    %swap3A_593 = vector.shape_cast %add3A_589 : vector<16xi32> to vector<16xi32>
    tpu.vector_store %arg6[%swap3A_590], %swap3A_593 {strides = array<i32>} : memref<2048xi32, #tpu.memory_space<vmem>>, vector<16xi32>,
    %get3A_594 = arith.constant 16 : index
    %get3A_595 = tpu.vector_load %arg5[%get3A_594] {strides = array<i32>} : memref<1024xi32, #tpu.memory_space<vmem>>, vector<16xi32>,
    %get3A_596 = vector.shape_cast %get3A_595 : vector<16xi32> to vector<16xi32>
    %add3A_597 = vector.broadcast %mul3A_584 : i32 to vector<16xi32>
    %add3A_598 = arith.addi %get3A_596, %add3A_597 : vector<16xi32>
    %swap3A_599 = arith.constant 1040 : index
    %swap3A_600 = tpu.vector_load %arg6[%swap3A_599] {strides = array<i32>} : memref<2048xi32, #tpu.memory_space<vmem>>, vector<16xi32>,
    %swap3A_601 = vector.shape_cast %swap3A_600 : vector<16xi32> to vector<16xi32>
    %swap3A_602 = vector.shape_cast %add3A_598 : vector<16xi32> to vector<16xi32>
    tpu.vector_store %arg6[%swap3A_599], %swap3A_602 {strides = array<i32>} : memref<2048xi32, #tpu.memory_space<vmem>>, vector<16xi32>,
    %get3A_603 = arith.constant 32 : index
    %get3A_604 = tpu.vector_load %arg5[%get3A_603] {strides = array<i32>} : memref<1024xi32, #tpu.memory_space<vmem>>, vector<16xi32>,
    %get3A_605 = vector.shape_cast %get3A_604 : vector<16xi32> to vector<16xi32>
    %add3A_606 = vector.broadcast %mul3A_584 : i32 to vector<16xi32>
    %add3A_607 = arith.addi %get3A_605, %add3A_606 : vector<16xi32>
    %swap3A_608 = arith.constant 1056 : index
    %swap3A_609 = tpu.vector_load %arg6[%swap3A_608] {strides = array<i32>} : memref<2048xi32, #tpu.memory_space<vmem>>, vector<16xi32>,
    %swap3A_610 = vector.shape_cast %swap3A_609 : vector<16xi32> to vector<16xi32>
    %swap3A_611 = vector.shape_cast %add3A_607 : vector<16xi32> to vector<16xi32>
    tpu.vector_store %arg6[%swap3A_608], %swap3A_611 {strides = array<i32>} : memref<2048xi32, #tpu.memory_space<vmem>>, vector<16xi32>,
    %get3A_612 = arith.constant 48 : index
    %get3A_613 = tpu.vector_load %arg5[%get3A_612] {strides = array<i32>} : memref<1024xi32, #tpu.memory_space<vmem>>, vector<16xi32>,
    %get3A_614 = vector.shape_cast %get3A_613 : vector<16xi32> to vector<16xi32>
    %add3A_615 = vector.broadcast %mul3A_584 : i32 to vector<16xi32>
    %add3A_616 = arith.addi %get3A_614, %add3A_615 : vector<16xi32>
    %swap3A_617 = arith.constant 1072 : index
    %swap3A_618 = tpu.vector_load %arg6[%swap3A_617] {strides = array<i32>} : memref<2048xi32, #tpu.memory_space<vmem>>, vector<16xi32>,
    %swap3A_619 = vector.shape_cast %swap3A_618 : vector<16xi32> to vector<16xi32>
    %swap3A_620 = vector.shape_cast %add3A_616 : vector<16xi32> to vector<16xi32>
    tpu.vector_store %arg6[%swap3A_617], %swap3A_620 {strides = array<i32>} : memref<2048xi32, #tpu.memory_space<vmem>>, vector<16xi32>,
    %get3A_621 = arith.constant 64 : index
    %get3A_622 = tpu.vector_load %arg5[%get3A_621] {strides = array<i32>} : memref<1024xi32, #tpu.memory_space<vmem>>, vector<16xi32>,
    %get3A_623 = vector.shape_cast %get3A_622 : vector<16xi32> to vector<16xi32>
    %add3A_624 = vector.broadcast %mul3A_584 : i32 to vector<16xi32>
    %add3A_625 = arith.addi %get3A_623, %add3A_624 : vector<16xi32>
    %swap3A_626 = arith.constant 1088 : index
    %swap3A_627 = tpu.vector_load %arg6[%swap3A_626] {strides = array<i32>} : memref<2048xi32, #tpu.memory_space<vmem>>, vector<16xi32>,
    %swap3A_628 = vector.shape_cast %swap3A_627 : vector<16xi32> to vector<16xi32>
    %swap3A_629 = vector.shape_cast %add3A_625 : vector<16xi32> to vector<16xi32>
    tpu.vector_store %arg6[%swap3A_626], %swap3A_629 {strides = array<i32>} : memref<2048xi32, #tpu.memory_space<vmem>>, vector<16xi32>,
    %get3A_630 = arith.constant 80 : index
    %get3A_631 = tpu.vector_load %arg5[%get3A_630] {strides = array<i32>} : memref<1024xi32, #tpu.memory_space<vmem>>, vector<16xi32>,
    %get3A_632 = vector.shape_cast %get3A_631 : vector<16xi32> to vector<16xi32>
    %add3A_633 = vector.broadcast %mul3A_584 : i32 to vector<16xi32>
    %add3A_634 = arith.addi %get3A_632, %add3A_633 : vector<16xi32>
    %swap3A_635 = arith.constant 1104 : index
    %swap3A_636 = tpu.vector_load %arg6[%swap3A_635] {strides = array<i32>} : memref<2048xi32, #tpu.memory_space<vmem>>, vector<16xi32>,
    %swap3A_637 = vector.shape_cast %swap3A_636 : vector<16xi32> to vector<16xi32>
    %swap3A_638 = vector.shape_cast %add3A_634 : vector<16xi32> to vector<16xi32>
    tpu.vector_store %arg6[%swap3A_635], %swap3A_638 {strides = array<i32>} : memref<2048xi32, #tpu.memory_space<vmem>>, vector<16xi32>,
    %get3A_639 = arith.constant 96 : index
    %get3A_640 = tpu.vector_load %arg5[%get3A_639] {strides = array<i32>} : memref<1024xi32, #tpu.memory_space<vmem>>, vector<16xi32>,
    %get3A_641 = vector.shape_cast %get3A_640 : vector<16xi32> to vector<16xi32>
    %add3A_642 = vector.broadcast %mul3A_584 : i32 to vector<16xi32>
    %add3A_643 = arith.addi %get3A_641, %add3A_642 : vector<16xi32>
    %swap3A_644 = arith.constant 1120 : index
    %swap3A_645 = tpu.vector_load %arg6[%swap3A_644] {strides = array<i32>} : memref<2048xi32, #tpu.memory_space<vmem>>, vector<16xi32>,
    %swap3A_646 = vector.shape_cast %swap3A_645 : vector<16xi32> to vector<16xi32>
    %swap3A_647 = vector.shape_cast %add3A_643 : vector<16xi32> to vector<16xi32>
    tpu.vector_store %arg6[%swap3A_644], %swap3A_647 {strides = array<i32>} : memref<2048xi32, #tpu.memory_space<vmem>>, vector<16xi32>,
    %get3A_648 = arith.constant 112 : index
    %get3A_649 = tpu.vector_load %arg5[%get3A_648] {strides = array<i32>} : memref<1024xi32, #tpu.memory_space<vmem>>, vector<16xi32>,
    %get3A_650 = vector.shape_cast %get3A_649 : vector<16xi32> to vector<16xi32>
    %add3A_651 = vector.broadcast %mul3A_584 : i32 to vector<16xi32>
    %add3A_652 = arith.addi %get3A_650, %add3A_651 : vector<16xi32>
    %swap3A_653 = arith.constant 1136 : index
    %swap3A_654 = tpu.vector_load %arg6[%swap3A_653] {strides = array<i32>} : memref<2048xi32, #tpu.memory_space<vmem>>, vector<16xi32>,
    %swap3A_655 = vector.shape_cast %swap3A_654 : vector<16xi32> to vector<16xi32>
    %swap3A_656 = vector.shape_cast %add3A_652 : vector<16xi32> to vector<16xi32>
    tpu.vector_store %arg6[%swap3A_653], %swap3A_656 {strides = array<i32>} : memref<2048xi32, #tpu.memory_space<vmem>>, vector<16xi32>,
    %get3A_657 = arith.constant 128 : index
    %get3A_658 = tpu.vector_load %arg5[%get3A_657] {strides = array<i32>} : memref<1024xi32, #tpu.memory_space<vmem>>, vector<16xi32>,
    %get3A_659 = vector.shape_cast %get3A_658 : vector<16xi32> to vector<16xi32>
    %add3A_660 = vector.broadcast %mul3A_584 : i32 to vector<16xi32>
    %add3A_661 = arith.addi %get3A_659, %add3A_660 : vector<16xi32>
    %swap3A_662 = arith.constant 1152 : index
    %swap3A_663 = tpu.vector_load %arg6[%swap3A_662] {strides = array<i32>} : memref<2048xi32, #tpu.memory_space<vmem>>, vector<16xi32>,
    %swap3A_664 = vector.shape_cast %swap3A_663 : vector<16xi32> to vector<16xi32>
    %swap3A_665 = vector.shape_cast %add3A_661 : vector<16xi32> to vector<16xi32>
    tpu.vector_store %arg6[%swap3A_662], %swap3A_665 {strides = array<i32>} : memref<2048xi32, #tpu.memory_space<vmem>>, vector<16xi32>,
    %get3A_666 = arith.constant 144 : index
    %get3A_667 = tpu.vector_load %arg5[%get3A_666] {strides = array<i32>} : memref<1024xi32, #tpu.memory_space<vmem>>, vector<16xi32>,
    %get3A_668 = vector.shape_cast %get3A_667 : vector<16xi32> to vector<16xi32>
    %add3A_669 = vector.broadcast %mul3A_584 : i32 to vector<16xi32>
    %add3A_670 = arith.addi %get3A_668, %add3A_669 : vector<16xi32>
    %swap3A_671 = arith.constant 1168 : index
    %swap3A_672 = tpu.vector_load %arg6[%swap3A_671] {strides = array<i32>} : memref<2048xi32, #tpu.memory_space<vmem>>, vector<16xi32>,
    %swap3A_673 = vector.shape_cast %swap3A_672 : vector<16xi32> to vector<16xi32>
    %swap3A_674 = vector.shape_cast %add3A_670 : vector<16xi32> to vector<16xi32>
    tpu.vector_store %arg6[%swap3A_671], %swap3A_674 {strides = array<i32>} : memref<2048xi32, #tpu.memory_space<vmem>>, vector<16xi32>,
    %get3A_675 = arith.constant 160 : index
    %get3A_676 = tpu.vector_load %arg5[%get3A_675] {strides = array<i32>} : memref<1024xi32, #tpu.memory_space<vmem>>, vector<16xi32>,
    %get3A_677 = vector.shape_cast %get3A_676 : vector<16xi32> to vector<16xi32>
    %add3A_678 = vector.broadcast %mul3A_584 : i32 to vector<16xi32>
    %add3A_679 = arith.addi %get3A_677, %add3A_678 : vector<16xi32>
    %swap3A_680 = arith.constant 1184 : index
    %swap3A_681 = tpu.vector_load %arg6[%swap3A_680] {strides = array<i32>} : memref<2048xi32, #tpu.memory_space<vmem>>, vector<16xi32>,
    %swap3A_682 = vector.shape_cast %swap3A_681 : vector<16xi32> to vector<16xi32>
    %swap3A_683 = vector.shape_cast %add3A_679 : vector<16xi32> to vector<16xi32>
    tpu.vector_store %arg6[%swap3A_680], %swap3A_683 {strides = array<i32>} : memref<2048xi32, #tpu.memory_space<vmem>>, vector<16xi32>,
    %get3A_684 = arith.constant 176 : index
    %get3A_685 = tpu.vector_load %arg5[%get3A_684] {strides = array<i32>} : memref<1024xi32, #tpu.memory_space<vmem>>, vector<16xi32>,
    %get3A_686 = vector.shape_cast %get3A_685 : vector<16xi32> to vector<16xi32>
    %add3A_687 = vector.broadcast %mul3A_584 : i32 to vector<16xi32>
    %add3A_688 = arith.addi %get3A_686, %add3A_687 : vector<16xi32>
    %swap3A_689 = arith.constant 1200 : index
    %swap3A_690 = tpu.vector_load %arg6[%swap3A_689] {strides = array<i32>} : memref<2048xi32, #tpu.memory_space<vmem>>, vector<16xi32>,
    %swap3A_691 = vector.shape_cast %swap3A_690 : vector<16xi32> to vector<16xi32>
    %swap3A_692 = vector.shape_cast %add3A_688 : vector<16xi32> to vector<16xi32>
    tpu.vector_store %arg6[%swap3A_689], %swap3A_692 {strides = array<i32>} : memref<2048xi32, #tpu.memory_space<vmem>>, vector<16xi32>,
    %get3A_693 = arith.constant 192 : index
    %get3A_694 = tpu.vector_load %arg5[%get3A_693] {strides = array<i32>} : memref<1024xi32, #tpu.memory_space<vmem>>, vector<16xi32>,
    %get3A_695 = vector.shape_cast %get3A_694 : vector<16xi32> to vector<16xi32>
    %add3A_696 = vector.broadcast %mul3A_584 : i32 to vector<16xi32>
    %add3A_697 = arith.addi %get3A_695, %add3A_696 : vector<16xi32>
    %swap3A_698 = arith.constant 1216 : index
    %swap3A_699 = tpu.vector_load %arg6[%swap3A_698] {strides = array<i32>} : memref<2048xi32, #tpu.memory_space<vmem>>, vector<16xi32>,
    %swap3A_700 = vector.shape_cast %swap3A_699 : vector<16xi32> to vector<16xi32>
    %swap3A_701 = vector.shape_cast %add3A_697 : vector<16xi32> to vector<16xi32>
    tpu.vector_store %arg6[%swap3A_698], %swap3A_701 {strides = array<i32>} : memref<2048xi32, #tpu.memory_space<vmem>>, vector<16xi32>,
    %get3A_702 = arith.constant 208 : index
    %get3A_703 = tpu.vector_load %arg5[%get3A_702] {strides = array<i32>} : memref<1024xi32, #tpu.memory_space<vmem>>, vector<16xi32>,
    %get3A_704 = vector.shape_cast %get3A_703 : vector<16xi32> to vector<16xi32>
    %add3A_705 = vector.broadcast %mul3A_584 : i32 to vector<16xi32>
    %add3A_706 = arith.addi %get3A_704, %add3A_705 : vector<16xi32>
    %swap3A_707 = arith.constant 1232 : index
    %swap3A_708 = tpu.vector_load %arg6[%swap3A_707] {strides = array<i32>} : memref<2048xi32, #tpu.memory_space<vmem>>, vector<16xi32>,
    %swap3A_709 = vector.shape_cast %swap3A_708 : vector<16xi32> to vector<16xi32>
    %swap3A_710 = vector.shape_cast %add3A_706 : vector<16xi32> to vector<16xi32>
    tpu.vector_store %arg6[%swap3A_707], %swap3A_710 {strides = array<i32>} : memref<2048xi32, #tpu.memory_space<vmem>>, vector<16xi32>,
    %get3A_711 = arith.constant 224 : index
    %get3A_712 = tpu.vector_load %arg5[%get3A_711] {strides = array<i32>} : memref<1024xi32, #tpu.memory_space<vmem>>, vector<16xi32>,
    %get3A_713 = vector.shape_cast %get3A_712 : vector<16xi32> to vector<16xi32>
    %add3A_714 = vector.broadcast %mul3A_584 : i32 to vector<16xi32>
    %add3A_715 = arith.addi %get3A_713, %add3A_714 : vector<16xi32>
    %swap3A_716 = arith.constant 1248 : index
    %swap3A_717 = tpu.vector_load %arg6[%swap3A_716] {strides = array<i32>} : memref<2048xi32, #tpu.memory_space<vmem>>, vector<16xi32>,
    %swap3A_718 = vector.shape_cast %swap3A_717 : vector<16xi32> to vector<16xi32>
    %swap3A_719 = vector.shape_cast %add3A_715 : vector<16xi32> to vector<16xi32>
    tpu.vector_store %arg6[%swap3A_716], %swap3A_719 {strides = array<i32>} : memref<2048xi32, #tpu.memory_space<vmem>>, vector<16xi32>,
    %get3A_720 = arith.constant 240 : index
    %get3A_721 = tpu.vector_load %arg5[%get3A_720] {strides = array<i32>} : memref<1024xi32, #tpu.memory_space<vmem>>, vector<16xi32>,
    %get3A_722 = vector.shape_cast %get3A_721 : vector<16xi32> to vector<16xi32>
    %add3A_723 = vector.broadcast %mul3A_584 : i32 to vector<16xi32>
    %add3A_724 = arith.addi %get3A_722, %add3A_723 : vector<16xi32>
    %swap3A_725 = arith.constant 1264 : index
    %swap3A_726 = tpu.vector_load %arg6[%swap3A_725] {strides = array<i32>} : memref<2048xi32, #tpu.memory_space<vmem>>, vector<16xi32>,
    %swap3A_727 = vector.shape_cast %swap3A_726 : vector<16xi32> to vector<16xi32>
    %swap3A_728 = vector.shape_cast %add3A_724 : vector<16xi32> to vector<16xi32>
    tpu.vector_store %arg6[%swap3A_725], %swap3A_728 {strides = array<i32>} : memref<2048xi32, #tpu.memory_space<vmem>>, vector<16xi32>,
    %get3A_729 = arith.constant 256 : index
    %get3A_730 = tpu.vector_load %arg5[%get3A_729] {strides = array<i32>} : memref<1024xi32, #tpu.memory_space<vmem>>, vector<16xi32>,
    %get3A_731 = vector.shape_cast %get3A_730 : vector<16xi32> to vector<16xi32>
    %add3A_732 = vector.broadcast %mul3A_584 : i32 to vector<16xi32>
    %add3A_733 = arith.addi %get3A_731, %add3A_732 : vector<16xi32>
    %swap3A_734 = arith.constant 1280 : index
    %swap3A_735 = tpu.vector_load %arg6[%swap3A_734] {strides = array<i32>} : memref<2048xi32, #tpu.memory_space<vmem>>, vector<16xi32>,
    %swap3A_736 = vector.shape_cast %swap3A_735 : vector<16xi32> to vector<16xi32>
    %swap3A_737 = vector.shape_cast %add3A_733 : vector<16xi32> to vector<16xi32>
    tpu.vector_store %arg6[%swap3A_734], %swap3A_737 {strides = array<i32>} : memref<2048xi32, #tpu.memory_space<vmem>>, vector<16xi32>,
    %get3A_738 = arith.constant 272 : index
    %get3A_739 = tpu.vector_load %arg5[%get3A_738] {strides = array<i32>} : memref<1024xi32, #tpu.memory_space<vmem>>, vector<16xi32>,
    %get3A_740 = vector.shape_cast %get3A_739 : vector<16xi32> to vector<16xi32>
    %add3A_741 = vector.broadcast %mul3A_584 : i32 to vector<16xi32>
    %add3A_742 = arith.addi %get3A_740, %add3A_741 : vector<16xi32>
    %swap3A_743 = arith.constant 1296 : index
    %swap3A_744 = tpu.vector_load %arg6[%swap3A_743] {strides = array<i32>} : memref<2048xi32, #tpu.memory_space<vmem>>, vector<16xi32>,
    %swap3A_745 = vector.shape_cast %swap3A_744 : vector<16xi32> to vector<16xi32>
    %swap3A_746 = vector.shape_cast %add3A_742 : vector<16xi32> to vector<16xi32>
    tpu.vector_store %arg6[%swap3A_743], %swap3A_746 {strides = array<i32>} : memref<2048xi32, #tpu.memory_space<vmem>>, vector<16xi32>,
    %get3A_747 = arith.constant 288 : index
    %get3A_748 = tpu.vector_load %arg5[%get3A_747] {strides = array<i32>} : memref<1024xi32, #tpu.memory_space<vmem>>, vector<16xi32>,
    %get3A_749 = vector.shape_cast %get3A_748 : vector<16xi32> to vector<16xi32>
    %add3A_750 = vector.broadcast %mul3A_584 : i32 to vector<16xi32>
    %add3A_751 = arith.addi %get3A_749, %add3A_750 : vector<16xi32>
    %swap3A_752 = arith.constant 1312 : index
    %swap3A_753 = tpu.vector_load %arg6[%swap3A_752] {strides = array<i32>} : memref<2048xi32, #tpu.memory_space<vmem>>, vector<16xi32>,
    %swap3A_754 = vector.shape_cast %swap3A_753 : vector<16xi32> to vector<16xi32>
    %swap3A_755 = vector.shape_cast %add3A_751 : vector<16xi32> to vector<16xi32>
    tpu.vector_store %arg6[%swap3A_752], %swap3A_755 {strides = array<i32>} : memref<2048xi32, #tpu.memory_space<vmem>>, vector<16xi32>,
    %get3A_756 = arith.constant 304 : index
    %get3A_757 = tpu.vector_load %arg5[%get3A_756] {strides = array<i32>} : memref<1024xi32, #tpu.memory_space<vmem>>, vector<16xi32>,
    %get3A_758 = vector.shape_cast %get3A_757 : vector<16xi32> to vector<16xi32>
    %add3A_759 = vector.broadcast %mul3A_584 : i32 to vector<16xi32>
    %add3A_760 = arith.addi %get3A_758, %add3A_759 : vector<16xi32>
    %swap3A_761 = arith.constant 1328 : index
    %swap3A_762 = tpu.vector_load %arg6[%swap3A_761] {strides = array<i32>} : memref<2048xi32, #tpu.memory_space<vmem>>, vector<16xi32>,
    %swap3A_763 = vector.shape_cast %swap3A_762 : vector<16xi32> to vector<16xi32>
    %swap3A_764 = vector.shape_cast %add3A_760 : vector<16xi32> to vector<16xi32>
    tpu.vector_store %arg6[%swap3A_761], %swap3A_764 {strides = array<i32>} : memref<2048xi32, #tpu.memory_space<vmem>>, vector<16xi32>,
    %get3A_765 = arith.constant 320 : index
    %get3A_766 = tpu.vector_load %arg5[%get3A_765] {strides = array<i32>} : memref<1024xi32, #tpu.memory_space<vmem>>, vector<16xi32>,
    %get3A_767 = vector.shape_cast %get3A_766 : vector<16xi32> to vector<16xi32>
    %add3A_768 = vector.broadcast %mul3A_584 : i32 to vector<16xi32>
    %add3A_769 = arith.addi %get3A_767, %add3A_768 : vector<16xi32>
    %swap3A_770 = arith.constant 1344 : index
    %swap3A_771 = tpu.vector_load %arg6[%swap3A_770] {strides = array<i32>} : memref<2048xi32, #tpu.memory_space<vmem>>, vector<16xi32>,
    %swap3A_772 = vector.shape_cast %swap3A_771 : vector<16xi32> to vector<16xi32>
    %swap3A_773 = vector.shape_cast %add3A_769 : vector<16xi32> to vector<16xi32>
    tpu.vector_store %arg6[%swap3A_770], %swap3A_773 {strides = array<i32>} : memref<2048xi32, #tpu.memory_space<vmem>>, vector<16xi32>,
    %get3A_774 = arith.constant 336 : index
    %get3A_775 = tpu.vector_load %arg5[%get3A_774] {strides = array<i32>} : memref<1024xi32, #tpu.memory_space<vmem>>, vector<16xi32>,
    %get3A_776 = vector.shape_cast %get3A_775 : vector<16xi32> to vector<16xi32>
    %add3A_777 = vector.broadcast %mul3A_584 : i32 to vector<16xi32>
    %add3A_778 = arith.addi %get3A_776, %add3A_777 : vector<16xi32>
    %swap3A_779 = arith.constant 1360 : index
    %swap3A_780 = tpu.vector_load %arg6[%swap3A_779] {strides = array<i32>} : memref<2048xi32, #tpu.memory_space<vmem>>, vector<16xi32>,
    %swap3A_781 = vector.shape_cast %swap3A_780 : vector<16xi32> to vector<16xi32>
    %swap3A_782 = vector.shape_cast %add3A_778 : vector<16xi32> to vector<16xi32>
    tpu.vector_store %arg6[%swap3A_779], %swap3A_782 {strides = array<i32>} : memref<2048xi32, #tpu.memory_space<vmem>>, vector<16xi32>,
    %get3A_783 = arith.constant 352 : index
    %get3A_784 = tpu.vector_load %arg5[%get3A_783] {strides = array<i32>} : memref<1024xi32, #tpu.memory_space<vmem>>, vector<16xi32>,
    %get3A_785 = vector.shape_cast %get3A_784 : vector<16xi32> to vector<16xi32>
    %add3A_786 = vector.broadcast %mul3A_584 : i32 to vector<16xi32>
    %add3A_787 = arith.addi %get3A_785, %add3A_786 : vector<16xi32>
    %swap3A_788 = arith.constant 1376 : index
    %swap3A_789 = tpu.vector_load %arg6[%swap3A_788] {strides = array<i32>} : memref<2048xi32, #tpu.memory_space<vmem>>, vector<16xi32>,
    %swap3A_790 = vector.shape_cast %swap3A_789 : vector<16xi32> to vector<16xi32>
    %swap3A_791 = vector.shape_cast %add3A_787 : vector<16xi32> to vector<16xi32>
    tpu.vector_store %arg6[%swap3A_788], %swap3A_791 {strides = array<i32>} : memref<2048xi32, #tpu.memory_space<vmem>>, vector<16xi32>,
    %get3A_792 = arith.constant 368 : index
    %get3A_793 = tpu.vector_load %arg5[%get3A_792] {strides = array<i32>} : memref<1024xi32, #tpu.memory_space<vmem>>, vector<16xi32>,
    %get3A_794 = vector.shape_cast %get3A_793 : vector<16xi32> to vector<16xi32>
    %add3A_795 = vector.broadcast %mul3A_584 : i32 to vector<16xi32>
    %add3A_796 = arith.addi %get3A_794, %add3A_795 : vector<16xi32>
    %swap3A_797 = arith.constant 1392 : index
    %swap3A_798 = tpu.vector_load %arg6[%swap3A_797] {strides = array<i32>} : memref<2048xi32, #tpu.memory_space<vmem>>, vector<16xi32>,
    %swap3A_799 = vector.shape_cast %swap3A_798 : vector<16xi32> to vector<16xi32>
    %swap3A_800 = vector.shape_cast %add3A_796 : vector<16xi32> to vector<16xi32>
    tpu.vector_store %arg6[%swap3A_797], %swap3A_800 {strides = array<i32>} : memref<2048xi32, #tpu.memory_space<vmem>>, vector<16xi32>,
    %get3A_801 = arith.constant 384 : index
    %get3A_802 = tpu.vector_load %arg5[%get3A_801] {strides = array<i32>} : memref<1024xi32, #tpu.memory_space<vmem>>, vector<16xi32>,
    %get3A_803 = vector.shape_cast %get3A_802 : vector<16xi32> to vector<16xi32>
    %add3A_804 = vector.broadcast %mul3A_584 : i32 to vector<16xi32>
    %add3A_805 = arith.addi %get3A_803, %add3A_804 : vector<16xi32>
    %swap3A_806 = arith.constant 1408 : index
    %swap3A_807 = tpu.vector_load %arg6[%swap3A_806] {strides = array<i32>} : memref<2048xi32, #tpu.memory_space<vmem>>, vector<16xi32>,
    %swap3A_808 = vector.shape_cast %swap3A_807 : vector<16xi32> to vector<16xi32>
    %swap3A_809 = vector.shape_cast %add3A_805 : vector<16xi32> to vector<16xi32>
    tpu.vector_store %arg6[%swap3A_806], %swap3A_809 {strides = array<i32>} : memref<2048xi32, #tpu.memory_space<vmem>>, vector<16xi32>,
    %get3A_810 = arith.constant 400 : index
    %get3A_811 = tpu.vector_load %arg5[%get3A_810] {strides = array<i32>} : memref<1024xi32, #tpu.memory_space<vmem>>, vector<16xi32>,
    %get3A_812 = vector.shape_cast %get3A_811 : vector<16xi32> to vector<16xi32>
    %add3A_813 = vector.broadcast %mul3A_584 : i32 to vector<16xi32>
    %add3A_814 = arith.addi %get3A_812, %add3A_813 : vector<16xi32>
    %swap3A_815 = arith.constant 1424 : index
    %swap3A_816 = tpu.vector_load %arg6[%swap3A_815] {strides = array<i32>} : memref<2048xi32, #tpu.memory_space<vmem>>, vector<16xi32>,
    %swap3A_817 = vector.shape_cast %swap3A_816 : vector<16xi32> to vector<16xi32>
    %swap3A_818 = vector.shape_cast %add3A_814 : vector<16xi32> to vector<16xi32>
    tpu.vector_store %arg6[%swap3A_815], %swap3A_818 {strides = array<i32>} : memref<2048xi32, #tpu.memory_space<vmem>>, vector<16xi32>,
    %get3A_819 = arith.constant 416 : index
    %get3A_820 = tpu.vector_load %arg5[%get3A_819] {strides = array<i32>} : memref<1024xi32, #tpu.memory_space<vmem>>, vector<16xi32>,
    %get3A_821 = vector.shape_cast %get3A_820 : vector<16xi32> to vector<16xi32>
    %add3A_822 = vector.broadcast %mul3A_584 : i32 to vector<16xi32>
    %add3A_823 = arith.addi %get3A_821, %add3A_822 : vector<16xi32>
    %swap3A_824 = arith.constant 1440 : index
    %swap3A_825 = tpu.vector_load %arg6[%swap3A_824] {strides = array<i32>} : memref<2048xi32, #tpu.memory_space<vmem>>, vector<16xi32>,
    %swap3A_826 = vector.shape_cast %swap3A_825 : vector<16xi32> to vector<16xi32>
    %swap3A_827 = vector.shape_cast %add3A_823 : vector<16xi32> to vector<16xi32>
    tpu.vector_store %arg6[%swap3A_824], %swap3A_827 {strides = array<i32>} : memref<2048xi32, #tpu.memory_space<vmem>>, vector<16xi32>,
    %get3A_828 = arith.constant 432 : index
    %get3A_829 = tpu.vector_load %arg5[%get3A_828] {strides = array<i32>} : memref<1024xi32, #tpu.memory_space<vmem>>, vector<16xi32>,
    %get3A_830 = vector.shape_cast %get3A_829 : vector<16xi32> to vector<16xi32>
    %add3A_831 = vector.broadcast %mul3A_584 : i32 to vector<16xi32>
    %add3A_832 = arith.addi %get3A_830, %add3A_831 : vector<16xi32>
    %swap3A_833 = arith.constant 1456 : index
    %swap3A_834 = tpu.vector_load %arg6[%swap3A_833] {strides = array<i32>} : memref<2048xi32, #tpu.memory_space<vmem>>, vector<16xi32>,
    %swap3A_835 = vector.shape_cast %swap3A_834 : vector<16xi32> to vector<16xi32>
    %swap3A_836 = vector.shape_cast %add3A_832 : vector<16xi32> to vector<16xi32>
    tpu.vector_store %arg6[%swap3A_833], %swap3A_836 {strides = array<i32>} : memref<2048xi32, #tpu.memory_space<vmem>>, vector<16xi32>,
    %get3A_837 = arith.constant 448 : index
    %get3A_838 = tpu.vector_load %arg5[%get3A_837] {strides = array<i32>} : memref<1024xi32, #tpu.memory_space<vmem>>, vector<16xi32>,
    %get3A_839 = vector.shape_cast %get3A_838 : vector<16xi32> to vector<16xi32>
    %add3A_840 = vector.broadcast %mul3A_584 : i32 to vector<16xi32>
    %add3A_841 = arith.addi %get3A_839, %add3A_840 : vector<16xi32>
    %swap3A_842 = arith.constant 1472 : index
    %swap3A_843 = tpu.vector_load %arg6[%swap3A_842] {strides = array<i32>} : memref<2048xi32, #tpu.memory_space<vmem>>, vector<16xi32>,
    %swap3A_844 = vector.shape_cast %swap3A_843 : vector<16xi32> to vector<16xi32>
    %swap3A_845 = vector.shape_cast %add3A_841 : vector<16xi32> to vector<16xi32>
    tpu.vector_store %arg6[%swap3A_842], %swap3A_845 {strides = array<i32>} : memref<2048xi32, #tpu.memory_space<vmem>>, vector<16xi32>,
    %get3A_846 = arith.constant 464 : index
    %get3A_847 = tpu.vector_load %arg5[%get3A_846] {strides = array<i32>} : memref<1024xi32, #tpu.memory_space<vmem>>, vector<16xi32>,
    %get3A_848 = vector.shape_cast %get3A_847 : vector<16xi32> to vector<16xi32>
    %add3A_849 = vector.broadcast %mul3A_584 : i32 to vector<16xi32>
    %add3A_850 = arith.addi %get3A_848, %add3A_849 : vector<16xi32>
    %swap3A_851 = arith.constant 1488 : index
    %swap3A_852 = tpu.vector_load %arg6[%swap3A_851] {strides = array<i32>} : memref<2048xi32, #tpu.memory_space<vmem>>, vector<16xi32>,
    %swap3A_853 = vector.shape_cast %swap3A_852 : vector<16xi32> to vector<16xi32>
    %swap3A_854 = vector.shape_cast %add3A_850 : vector<16xi32> to vector<16xi32>
    tpu.vector_store %arg6[%swap3A_851], %swap3A_854 {strides = array<i32>} : memref<2048xi32, #tpu.memory_space<vmem>>, vector<16xi32>,
    %get3A_855 = arith.constant 480 : index
    %get3A_856 = tpu.vector_load %arg5[%get3A_855] {strides = array<i32>} : memref<1024xi32, #tpu.memory_space<vmem>>, vector<16xi32>,
    %get3A_857 = vector.shape_cast %get3A_856 : vector<16xi32> to vector<16xi32>
    %add3A_858 = vector.broadcast %mul3A_584 : i32 to vector<16xi32>
    %add3A_859 = arith.addi %get3A_857, %add3A_858 : vector<16xi32>
    %swap3A_860 = arith.constant 1504 : index
    %swap3A_861 = tpu.vector_load %arg6[%swap3A_860] {strides = array<i32>} : memref<2048xi32, #tpu.memory_space<vmem>>, vector<16xi32>,
    %swap3A_862 = vector.shape_cast %swap3A_861 : vector<16xi32> to vector<16xi32>
    %swap3A_863 = vector.shape_cast %add3A_859 : vector<16xi32> to vector<16xi32>
    tpu.vector_store %arg6[%swap3A_860], %swap3A_863 {strides = array<i32>} : memref<2048xi32, #tpu.memory_space<vmem>>, vector<16xi32>,
    %get3A_864 = arith.constant 496 : index
    %get3A_865 = tpu.vector_load %arg5[%get3A_864] {strides = array<i32>} : memref<1024xi32, #tpu.memory_space<vmem>>, vector<16xi32>,
    %get3A_866 = vector.shape_cast %get3A_865 : vector<16xi32> to vector<16xi32>
    %add3A_867 = vector.broadcast %mul3A_584 : i32 to vector<16xi32>
    %add3A_868 = arith.addi %get3A_866, %add3A_867 : vector<16xi32>
    %swap3A_869 = arith.constant 1520 : index
    %swap3A_870 = tpu.vector_load %arg6[%swap3A_869] {strides = array<i32>} : memref<2048xi32, #tpu.memory_space<vmem>>, vector<16xi32>,
    %swap3A_871 = vector.shape_cast %swap3A_870 : vector<16xi32> to vector<16xi32>
    %swap3A_872 = vector.shape_cast %add3A_868 : vector<16xi32> to vector<16xi32>
    tpu.vector_store %arg6[%swap3A_869], %swap3A_872 {strides = array<i32>} : memref<2048xi32, #tpu.memory_space<vmem>>, vector<16xi32>,
    %get3A_873 = arith.constant 512 : index
    %get3A_874 = tpu.vector_load %arg5[%get3A_873] {strides = array<i32>} : memref<1024xi32, #tpu.memory_space<vmem>>, vector<16xi32>,
    %get3A_875 = vector.shape_cast %get3A_874 : vector<16xi32> to vector<16xi32>
    %add3A_876 = vector.broadcast %mul3A_584 : i32 to vector<16xi32>
    %add3A_877 = arith.addi %get3A_875, %add3A_876 : vector<16xi32>
    %swap3A_878 = arith.constant 1536 : index
    %swap3A_879 = tpu.vector_load %arg6[%swap3A_878] {strides = array<i32>} : memref<2048xi32, #tpu.memory_space<vmem>>, vector<16xi32>,
    %swap3A_880 = vector.shape_cast %swap3A_879 : vector<16xi32> to vector<16xi32>
    %swap3A_881 = vector.shape_cast %add3A_877 : vector<16xi32> to vector<16xi32>
    tpu.vector_store %arg6[%swap3A_878], %swap3A_881 {strides = array<i32>} : memref<2048xi32, #tpu.memory_space<vmem>>, vector<16xi32>,
    %get3A_882 = arith.constant 528 : index
    %get3A_883 = tpu.vector_load %arg5[%get3A_882] {strides = array<i32>} : memref<1024xi32, #tpu.memory_space<vmem>>, vector<16xi32>,
    %get3A_884 = vector.shape_cast %get3A_883 : vector<16xi32> to vector<16xi32>
    %add3A_885 = vector.broadcast %mul3A_584 : i32 to vector<16xi32>
    %add3A_886 = arith.addi %get3A_884, %add3A_885 : vector<16xi32>
    %swap3A_887 = arith.constant 1552 : index
    %swap3A_888 = tpu.vector_load %arg6[%swap3A_887] {strides = array<i32>} : memref<2048xi32, #tpu.memory_space<vmem>>, vector<16xi32>,
    %swap3A_889 = vector.shape_cast %swap3A_888 : vector<16xi32> to vector<16xi32>
    %swap3A_890 = vector.shape_cast %add3A_886 : vector<16xi32> to vector<16xi32>
    tpu.vector_store %arg6[%swap3A_887], %swap3A_890 {strides = array<i32>} : memref<2048xi32, #tpu.memory_space<vmem>>, vector<16xi32>,
    %get3A_891 = arith.constant 544 : index
    %get3A_892 = tpu.vector_load %arg5[%get3A_891] {strides = array<i32>} : memref<1024xi32, #tpu.memory_space<vmem>>, vector<16xi32>,
    %get3A_893 = vector.shape_cast %get3A_892 : vector<16xi32> to vector<16xi32>
    %add3A_894 = vector.broadcast %mul3A_584 : i32 to vector<16xi32>
    %add3A_895 = arith.addi %get3A_893, %add3A_894 : vector<16xi32>
    %swap3A_896 = arith.constant 1568 : index
    %swap3A_897 = tpu.vector_load %arg6[%swap3A_896] {strides = array<i32>} : memref<2048xi32, #tpu.memory_space<vmem>>, vector<16xi32>,
    %swap3A_898 = vector.shape_cast %swap3A_897 : vector<16xi32> to vector<16xi32>
    %swap3A_899 = vector.shape_cast %add3A_895 : vector<16xi32> to vector<16xi32>
    tpu.vector_store %arg6[%swap3A_896], %swap3A_899 {strides = array<i32>} : memref<2048xi32, #tpu.memory_space<vmem>>, vector<16xi32>,
    %get3A_900 = arith.constant 560 : index
    %get3A_901 = tpu.vector_load %arg5[%get3A_900] {strides = array<i32>} : memref<1024xi32, #tpu.memory_space<vmem>>, vector<16xi32>,
    %get3A_902 = vector.shape_cast %get3A_901 : vector<16xi32> to vector<16xi32>
    %add3A_903 = vector.broadcast %mul3A_584 : i32 to vector<16xi32>
    %add3A_904 = arith.addi %get3A_902, %add3A_903 : vector<16xi32>
    %swap3A_905 = arith.constant 1584 : index
    %swap3A_906 = tpu.vector_load %arg6[%swap3A_905] {strides = array<i32>} : memref<2048xi32, #tpu.memory_space<vmem>>, vector<16xi32>,
    %swap3A_907 = vector.shape_cast %swap3A_906 : vector<16xi32> to vector<16xi32>
    %swap3A_908 = vector.shape_cast %add3A_904 : vector<16xi32> to vector<16xi32>
    tpu.vector_store %arg6[%swap3A_905], %swap3A_908 {strides = array<i32>} : memref<2048xi32, #tpu.memory_space<vmem>>, vector<16xi32>,
    %get3A_909 = arith.constant 576 : index
    %get3A_910 = tpu.vector_load %arg5[%get3A_909] {strides = array<i32>} : memref<1024xi32, #tpu.memory_space<vmem>>, vector<16xi32>,
    %get3A_911 = vector.shape_cast %get3A_910 : vector<16xi32> to vector<16xi32>
    %add3A_912 = vector.broadcast %mul3A_584 : i32 to vector<16xi32>
    %add3A_913 = arith.addi %get3A_911, %add3A_912 : vector<16xi32>
    %swap3A_914 = arith.constant 1600 : index
    %swap3A_915 = tpu.vector_load %arg6[%swap3A_914] {strides = array<i32>} : memref<2048xi32, #tpu.memory_space<vmem>>, vector<16xi32>,
    %swap3A_916 = vector.shape_cast %swap3A_915 : vector<16xi32> to vector<16xi32>
    %swap3A_917 = vector.shape_cast %add3A_913 : vector<16xi32> to vector<16xi32>
    tpu.vector_store %arg6[%swap3A_914], %swap3A_917 {strides = array<i32>} : memref<2048xi32, #tpu.memory_space<vmem>>, vector<16xi32>,
    %get3A_918 = arith.constant 592 : index
    %get3A_919 = tpu.vector_load %arg5[%get3A_918] {strides = array<i32>} : memref<1024xi32, #tpu.memory_space<vmem>>, vector<16xi32>,
    %get3A_920 = vector.shape_cast %get3A_919 : vector<16xi32> to vector<16xi32>
    %add3A_921 = vector.broadcast %mul3A_584 : i32 to vector<16xi32>
    %add3A_922 = arith.addi %get3A_920, %add3A_921 : vector<16xi32>
    %swap3A_923 = arith.constant 1616 : index
    %swap3A_924 = tpu.vector_load %arg6[%swap3A_923] {strides = array<i32>} : memref<2048xi32, #tpu.memory_space<vmem>>, vector<16xi32>,
    %swap3A_925 = vector.shape_cast %swap3A_924 : vector<16xi32> to vector<16xi32>
    %swap3A_926 = vector.shape_cast %add3A_922 : vector<16xi32> to vector<16xi32>
    tpu.vector_store %arg6[%swap3A_923], %swap3A_926 {strides = array<i32>} : memref<2048xi32, #tpu.memory_space<vmem>>, vector<16xi32>,
    %get3A_927 = arith.constant 608 : index
    %get3A_928 = tpu.vector_load %arg5[%get3A_927] {strides = array<i32>} : memref<1024xi32, #tpu.memory_space<vmem>>, vector<16xi32>,
    %get3A_929 = vector.shape_cast %get3A_928 : vector<16xi32> to vector<16xi32>
    %add3A_930 = vector.broadcast %mul3A_584 : i32 to vector<16xi32>
    %add3A_931 = arith.addi %get3A_929, %add3A_930 : vector<16xi32>
    %swap3A_932 = arith.constant 1632 : index
    %swap3A_933 = tpu.vector_load %arg6[%swap3A_932] {strides = array<i32>} : memref<2048xi32, #tpu.memory_space<vmem>>, vector<16xi32>,
    %swap3A_934 = vector.shape_cast %swap3A_933 : vector<16xi32> to vector<16xi32>
    %swap3A_935 = vector.shape_cast %add3A_931 : vector<16xi32> to vector<16xi32>
    tpu.vector_store %arg6[%swap3A_932], %swap3A_935 {strides = array<i32>} : memref<2048xi32, #tpu.memory_space<vmem>>, vector<16xi32>,
    %get3A_936 = arith.constant 624 : index
    %get3A_937 = tpu.vector_load %arg5[%get3A_936] {strides = array<i32>} : memref<1024xi32, #tpu.memory_space<vmem>>, vector<16xi32>,
    %get3A_938 = vector.shape_cast %get3A_937 : vector<16xi32> to vector<16xi32>
    %add3A_939 = vector.broadcast %mul3A_584 : i32 to vector<16xi32>
    %add3A_940 = arith.addi %get3A_938, %add3A_939 : vector<16xi32>
    %swap3A_941 = arith.constant 1648 : index
    %swap3A_942 = tpu.vector_load %arg6[%swap3A_941] {strides = array<i32>} : memref<2048xi32, #tpu.memory_space<vmem>>, vector<16xi32>,
    %swap3A_943 = vector.shape_cast %swap3A_942 : vector<16xi32> to vector<16xi32>
    %swap3A_944 = vector.shape_cast %add3A_940 : vector<16xi32> to vector<16xi32>
    tpu.vector_store %arg6[%swap3A_941], %swap3A_944 {strides = array<i32>} : memref<2048xi32, #tpu.memory_space<vmem>>, vector<16xi32>,
    %get3A_945 = arith.constant 640 : index
    %get3A_946 = tpu.vector_load %arg5[%get3A_945] {strides = array<i32>} : memref<1024xi32, #tpu.memory_space<vmem>>, vector<16xi32>,
    %get3A_947 = vector.shape_cast %get3A_946 : vector<16xi32> to vector<16xi32>
    %add3A_948 = vector.broadcast %mul3A_584 : i32 to vector<16xi32>
    %add3A_949 = arith.addi %get3A_947, %add3A_948 : vector<16xi32>
    %swap3A_950 = arith.constant 1664 : index
    %swap3A_951 = tpu.vector_load %arg6[%swap3A_950] {strides = array<i32>} : memref<2048xi32, #tpu.memory_space<vmem>>, vector<16xi32>,
    %swap3A_952 = vector.shape_cast %swap3A_951 : vector<16xi32> to vector<16xi32>
    %swap3A_953 = vector.shape_cast %add3A_949 : vector<16xi32> to vector<16xi32>
    tpu.vector_store %arg6[%swap3A_950], %swap3A_953 {strides = array<i32>} : memref<2048xi32, #tpu.memory_space<vmem>>, vector<16xi32>,
    %get3A_954 = arith.constant 656 : index
    %get3A_955 = tpu.vector_load %arg5[%get3A_954] {strides = array<i32>} : memref<1024xi32, #tpu.memory_space<vmem>>, vector<16xi32>,
    %get3A_956 = vector.shape_cast %get3A_955 : vector<16xi32> to vector<16xi32>
    %add3A_957 = vector.broadcast %mul3A_584 : i32 to vector<16xi32>
    %add3A_958 = arith.addi %get3A_956, %add3A_957 : vector<16xi32>
    %swap3A_959 = arith.constant 1680 : index
    %swap3A_960 = tpu.vector_load %arg6[%swap3A_959] {strides = array<i32>} : memref<2048xi32, #tpu.memory_space<vmem>>, vector<16xi32>,
    %swap3A_961 = vector.shape_cast %swap3A_960 : vector<16xi32> to vector<16xi32>
    %swap3A_962 = vector.shape_cast %add3A_958 : vector<16xi32> to vector<16xi32>
    tpu.vector_store %arg6[%swap3A_959], %swap3A_962 {strides = array<i32>} : memref<2048xi32, #tpu.memory_space<vmem>>, vector<16xi32>,
    %get3A_963 = arith.constant 672 : index
    %get3A_964 = tpu.vector_load %arg5[%get3A_963] {strides = array<i32>} : memref<1024xi32, #tpu.memory_space<vmem>>, vector<16xi32>,
    %get3A_965 = vector.shape_cast %get3A_964 : vector<16xi32> to vector<16xi32>
    %add3A_966 = vector.broadcast %mul3A_584 : i32 to vector<16xi32>
    %add3A_967 = arith.addi %get3A_965, %add3A_966 : vector<16xi32>
    %swap3A_968 = arith.constant 1696 : index
    %swap3A_969 = tpu.vector_load %arg6[%swap3A_968] {strides = array<i32>} : memref<2048xi32, #tpu.memory_space<vmem>>, vector<16xi32>,
    %swap3A_970 = vector.shape_cast %swap3A_969 : vector<16xi32> to vector<16xi32>
    %swap3A_971 = vector.shape_cast %add3A_967 : vector<16xi32> to vector<16xi32>
    tpu.vector_store %arg6[%swap3A_968], %swap3A_971 {strides = array<i32>} : memref<2048xi32, #tpu.memory_space<vmem>>, vector<16xi32>,
    %get3A_972 = arith.constant 688 : index
    %get3A_973 = tpu.vector_load %arg5[%get3A_972] {strides = array<i32>} : memref<1024xi32, #tpu.memory_space<vmem>>, vector<16xi32>,
    %get3A_974 = vector.shape_cast %get3A_973 : vector<16xi32> to vector<16xi32>
    %add3A_975 = vector.broadcast %mul3A_584 : i32 to vector<16xi32>
    %add3A_976 = arith.addi %get3A_974, %add3A_975 : vector<16xi32>
    %swap3A_977 = arith.constant 1712 : index
    %swap3A_978 = tpu.vector_load %arg6[%swap3A_977] {strides = array<i32>} : memref<2048xi32, #tpu.memory_space<vmem>>, vector<16xi32>,
    %swap3A_979 = vector.shape_cast %swap3A_978 : vector<16xi32> to vector<16xi32>
    %swap3A_980 = vector.shape_cast %add3A_976 : vector<16xi32> to vector<16xi32>
    tpu.vector_store %arg6[%swap3A_977], %swap3A_980 {strides = array<i32>} : memref<2048xi32, #tpu.memory_space<vmem>>, vector<16xi32>,
    %get3A_981 = arith.constant 704 : index
    %get3A_982 = tpu.vector_load %arg5[%get3A_981] {strides = array<i32>} : memref<1024xi32, #tpu.memory_space<vmem>>, vector<16xi32>,
    %get3A_983 = vector.shape_cast %get3A_982 : vector<16xi32> to vector<16xi32>
    %add3A_984 = vector.broadcast %mul3A_584 : i32 to vector<16xi32>
    %add3A_985 = arith.addi %get3A_983, %add3A_984 : vector<16xi32>
    %swap3A_986 = arith.constant 1728 : index
    %swap3A_987 = tpu.vector_load %arg6[%swap3A_986] {strides = array<i32>} : memref<2048xi32, #tpu.memory_space<vmem>>, vector<16xi32>,
    %swap3A_988 = vector.shape_cast %swap3A_987 : vector<16xi32> to vector<16xi32>
    %swap3A_989 = vector.shape_cast %add3A_985 : vector<16xi32> to vector<16xi32>
    tpu.vector_store %arg6[%swap3A_986], %swap3A_989 {strides = array<i32>} : memref<2048xi32, #tpu.memory_space<vmem>>, vector<16xi32>,
    %get3A_990 = arith.constant 720 : index
    %get3A_991 = tpu.vector_load %arg5[%get3A_990] {strides = array<i32>} : memref<1024xi32, #tpu.memory_space<vmem>>, vector<16xi32>,
    %get3A_992 = vector.shape_cast %get3A_991 : vector<16xi32> to vector<16xi32>
    %add3A_993 = vector.broadcast %mul3A_584 : i32 to vector<16xi32>
    %add3A_994 = arith.addi %get3A_992, %add3A_993 : vector<16xi32>
    %swap3A_995 = arith.constant 1744 : index
    %swap3A_996 = tpu.vector_load %arg6[%swap3A_995] {strides = array<i32>} : memref<2048xi32, #tpu.memory_space<vmem>>, vector<16xi32>,
    %swap3A_997 = vector.shape_cast %swap3A_996 : vector<16xi32> to vector<16xi32>
    %swap3A_998 = vector.shape_cast %add3A_994 : vector<16xi32> to vector<16xi32>
    tpu.vector_store %arg6[%swap3A_995], %swap3A_998 {strides = array<i32>} : memref<2048xi32, #tpu.memory_space<vmem>>, vector<16xi32>,
    %get3A_999 = arith.constant 736 : index
    %get3A_1000 = tpu.vector_load %arg5[%get3A_999] {strides = array<i32>} : memref<1024xi32, #tpu.memory_space<vmem>>, vector<16xi32>,
    %get3A_1001 = vector.shape_cast %get3A_1000 : vector<16xi32> to vector<16xi32>
    %add3A_1002 = vector.broadcast %mul3A_584 : i32 to vector<16xi32>
    %add3A_1003 = arith.addi %get3A_1001, %add3A_1002 : vector<16xi32>
    %swap3A_1004 = arith.constant 1760 : index
    %swap3A_1005 = tpu.vector_load %arg6[%swap3A_1004] {strides = array<i32>} : memref<2048xi32, #tpu.memory_space<vmem>>, vector<16xi32>,
    %swap3A_1006 = vector.shape_cast %swap3A_1005 : vector<16xi32> to vector<16xi32>
    %swap3A_1007 = vector.shape_cast %add3A_1003 : vector<16xi32> to vector<16xi32>
    tpu.vector_store %arg6[%swap3A_1004], %swap3A_1007 {strides = array<i32>} : memref<2048xi32, #tpu.memory_space<vmem>>, vector<16xi32>,
    %get3A_1008 = arith.constant 752 : index
    %get3A_1009 = tpu.vector_load %arg5[%get3A_1008] {strides = array<i32>} : memref<1024xi32, #tpu.memory_space<vmem>>, vector<16xi32>,
    %get3A_1010 = vector.shape_cast %get3A_1009 : vector<16xi32> to vector<16xi32>
    %add3A_1011 = vector.broadcast %mul3A_584 : i32 to vector<16xi32>
    %add3A_1012 = arith.addi %get3A_1010, %add3A_1011 : vector<16xi32>
    %swap3A_1013 = arith.constant 1776 : index
    %swap3A_1014 = tpu.vector_load %arg6[%swap3A_1013] {strides = array<i32>} : memref<2048xi32, #tpu.memory_space<vmem>>, vector<16xi32>,
    %swap3A_1015 = vector.shape_cast %swap3A_1014 : vector<16xi32> to vector<16xi32>
    %swap3A_1016 = vector.shape_cast %add3A_1012 : vector<16xi32> to vector<16xi32>
    tpu.vector_store %arg6[%swap3A_1013], %swap3A_1016 {strides = array<i32>} : memref<2048xi32, #tpu.memory_space<vmem>>, vector<16xi32>,
    %get3A_1017 = arith.constant 768 : index
    %get3A_1018 = tpu.vector_load %arg5[%get3A_1017] {strides = array<i32>} : memref<1024xi32, #tpu.memory_space<vmem>>, vector<16xi32>,
    %get3A_1019 = vector.shape_cast %get3A_1018 : vector<16xi32> to vector<16xi32>
    %add3A_1020 = vector.broadcast %mul3A_584 : i32 to vector<16xi32>
    %add3A_1021 = arith.addi %get3A_1019, %add3A_1020 : vector<16xi32>
    %swap3A_1022 = arith.constant 1792 : index
    %swap3A_1023 = tpu.vector_load %arg6[%swap3A_1022] {strides = array<i32>} : memref<2048xi32, #tpu.memory_space<vmem>>, vector<16xi32>,
    %swap3A_1024 = vector.shape_cast %swap3A_1023 : vector<16xi32> to vector<16xi32>
    %swap3A_1025 = vector.shape_cast %add3A_1021 : vector<16xi32> to vector<16xi32>
    tpu.vector_store %arg6[%swap3A_1022], %swap3A_1025 {strides = array<i32>} : memref<2048xi32, #tpu.memory_space<vmem>>, vector<16xi32>,
    %get3A_1026 = arith.constant 784 : index
    %get3A_1027 = tpu.vector_load %arg5[%get3A_1026] {strides = array<i32>} : memref<1024xi32, #tpu.memory_space<vmem>>, vector<16xi32>,
    %get3A_1028 = vector.shape_cast %get3A_1027 : vector<16xi32> to vector<16xi32>
    %add3A_1029 = vector.broadcast %mul3A_584 : i32 to vector<16xi32>
    %add3A_1030 = arith.addi %get3A_1028, %add3A_1029 : vector<16xi32>
    %swap3A_1031 = arith.constant 1808 : index
    %swap3A_1032 = tpu.vector_load %arg6[%swap3A_1031] {strides = array<i32>} : memref<2048xi32, #tpu.memory_space<vmem>>, vector<16xi32>,
    %swap3A_1033 = vector.shape_cast %swap3A_1032 : vector<16xi32> to vector<16xi32>
    %swap3A_1034 = vector.shape_cast %add3A_1030 : vector<16xi32> to vector<16xi32>
    tpu.vector_store %arg6[%swap3A_1031], %swap3A_1034 {strides = array<i32>} : memref<2048xi32, #tpu.memory_space<vmem>>, vector<16xi32>,
    %get3A_1035 = arith.constant 800 : index
    %get3A_1036 = tpu.vector_load %arg5[%get3A_1035] {strides = array<i32>} : memref<1024xi32, #tpu.memory_space<vmem>>, vector<16xi32>,
    %get3A_1037 = vector.shape_cast %get3A_1036 : vector<16xi32> to vector<16xi32>
    %add3A_1038 = vector.broadcast %mul3A_584 : i32 to vector<16xi32>
    %add3A_1039 = arith.addi %get3A_1037, %add3A_1038 : vector<16xi32>
    %swap3A_1040 = arith.constant 1824 : index
    %swap3A_1041 = tpu.vector_load %arg6[%swap3A_1040] {strides = array<i32>} : memref<2048xi32, #tpu.memory_space<vmem>>, vector<16xi32>,
    %swap3A_1042 = vector.shape_cast %swap3A_1041 : vector<16xi32> to vector<16xi32>
    %swap3A_1043 = vector.shape_cast %add3A_1039 : vector<16xi32> to vector<16xi32>
    tpu.vector_store %arg6[%swap3A_1040], %swap3A_1043 {strides = array<i32>} : memref<2048xi32, #tpu.memory_space<vmem>>, vector<16xi32>,
    %get3A_1044 = arith.constant 816 : index
    %get3A_1045 = tpu.vector_load %arg5[%get3A_1044] {strides = array<i32>} : memref<1024xi32, #tpu.memory_space<vmem>>, vector<16xi32>,
    %get3A_1046 = vector.shape_cast %get3A_1045 : vector<16xi32> to vector<16xi32>
    %add3A_1047 = vector.broadcast %mul3A_584 : i32 to vector<16xi32>
    %add3A_1048 = arith.addi %get3A_1046, %add3A_1047 : vector<16xi32>
    %swap3A_1049 = arith.constant 1840 : index
    %swap3A_1050 = tpu.vector_load %arg6[%swap3A_1049] {strides = array<i32>} : memref<2048xi32, #tpu.memory_space<vmem>>, vector<16xi32>,
    %swap3A_1051 = vector.shape_cast %swap3A_1050 : vector<16xi32> to vector<16xi32>
    %swap3A_1052 = vector.shape_cast %add3A_1048 : vector<16xi32> to vector<16xi32>
    tpu.vector_store %arg6[%swap3A_1049], %swap3A_1052 {strides = array<i32>} : memref<2048xi32, #tpu.memory_space<vmem>>, vector<16xi32>,
    %get3A_1053 = arith.constant 832 : index
    %get3A_1054 = tpu.vector_load %arg5[%get3A_1053] {strides = array<i32>} : memref<1024xi32, #tpu.memory_space<vmem>>, vector<16xi32>,
    %get3A_1055 = vector.shape_cast %get3A_1054 : vector<16xi32> to vector<16xi32>
    %add3A_1056 = vector.broadcast %mul3A_584 : i32 to vector<16xi32>
    %add3A_1057 = arith.addi %get3A_1055, %add3A_1056 : vector<16xi32>
    %swap3A_1058 = arith.constant 1856 : index
    %swap3A_1059 = tpu.vector_load %arg6[%swap3A_1058] {strides = array<i32>} : memref<2048xi32, #tpu.memory_space<vmem>>, vector<16xi32>,
    %swap3A_1060 = vector.shape_cast %swap3A_1059 : vector<16xi32> to vector<16xi32>
    %swap3A_1061 = vector.shape_cast %add3A_1057 : vector<16xi32> to vector<16xi32>
    tpu.vector_store %arg6[%swap3A_1058], %swap3A_1061 {strides = array<i32>} : memref<2048xi32, #tpu.memory_space<vmem>>, vector<16xi32>,
    %get3A_1062 = arith.constant 848 : index
    %get3A_1063 = tpu.vector_load %arg5[%get3A_1062] {strides = array<i32>} : memref<1024xi32, #tpu.memory_space<vmem>>, vector<16xi32>,
    %get3A_1064 = vector.shape_cast %get3A_1063 : vector<16xi32> to vector<16xi32>
    %add3A_1065 = vector.broadcast %mul3A_584 : i32 to vector<16xi32>
    %add3A_1066 = arith.addi %get3A_1064, %add3A_1065 : vector<16xi32>
    %swap3A_1067 = arith.constant 1872 : index
    %swap3A_1068 = tpu.vector_load %arg6[%swap3A_1067] {strides = array<i32>} : memref<2048xi32, #tpu.memory_space<vmem>>, vector<16xi32>,
    %swap3A_1069 = vector.shape_cast %swap3A_1068 : vector<16xi32> to vector<16xi32>
    %swap3A_1070 = vector.shape_cast %add3A_1066 : vector<16xi32> to vector<16xi32>
    tpu.vector_store %arg6[%swap3A_1067], %swap3A_1070 {strides = array<i32>} : memref<2048xi32, #tpu.memory_space<vmem>>, vector<16xi32>,
    %get3A_1071 = arith.constant 864 : index
    %get3A_1072 = tpu.vector_load %arg5[%get3A_1071] {strides = array<i32>} : memref<1024xi32, #tpu.memory_space<vmem>>, vector<16xi32>,
    %get3A_1073 = vector.shape_cast %get3A_1072 : vector<16xi32> to vector<16xi32>
    %add3A_1074 = vector.broadcast %mul3A_584 : i32 to vector<16xi32>
    %add3A_1075 = arith.addi %get3A_1073, %add3A_1074 : vector<16xi32>
    %swap3A_1076 = arith.constant 1888 : index
    %swap3A_1077 = tpu.vector_load %arg6[%swap3A_1076] {strides = array<i32>} : memref<2048xi32, #tpu.memory_space<vmem>>, vector<16xi32>,
    %swap3A_1078 = vector.shape_cast %swap3A_1077 : vector<16xi32> to vector<16xi32>
    %swap3A_1079 = vector.shape_cast %add3A_1075 : vector<16xi32> to vector<16xi32>
    tpu.vector_store %arg6[%swap3A_1076], %swap3A_1079 {strides = array<i32>} : memref<2048xi32, #tpu.memory_space<vmem>>, vector<16xi32>,
    %get3A_1080 = arith.constant 880 : index
    %get3A_1081 = tpu.vector_load %arg5[%get3A_1080] {strides = array<i32>} : memref<1024xi32, #tpu.memory_space<vmem>>, vector<16xi32>,
    %get3A_1082 = vector.shape_cast %get3A_1081 : vector<16xi32> to vector<16xi32>
    %add3A_1083 = vector.broadcast %mul3A_584 : i32 to vector<16xi32>
    %add3A_1084 = arith.addi %get3A_1082, %add3A_1083 : vector<16xi32>
    %swap3A_1085 = arith.constant 1904 : index
    %swap3A_1086 = tpu.vector_load %arg6[%swap3A_1085] {strides = array<i32>} : memref<2048xi32, #tpu.memory_space<vmem>>, vector<16xi32>,
    %swap3A_1087 = vector.shape_cast %swap3A_1086 : vector<16xi32> to vector<16xi32>
    %swap3A_1088 = vector.shape_cast %add3A_1084 : vector<16xi32> to vector<16xi32>
    tpu.vector_store %arg6[%swap3A_1085], %swap3A_1088 {strides = array<i32>} : memref<2048xi32, #tpu.memory_space<vmem>>, vector<16xi32>,
    %get3A_1089 = arith.constant 896 : index
    %get3A_1090 = tpu.vector_load %arg5[%get3A_1089] {strides = array<i32>} : memref<1024xi32, #tpu.memory_space<vmem>>, vector<16xi32>,
    %get3A_1091 = vector.shape_cast %get3A_1090 : vector<16xi32> to vector<16xi32>
    %add3A_1092 = vector.broadcast %mul3A_584 : i32 to vector<16xi32>
    %add3A_1093 = arith.addi %get3A_1091, %add3A_1092 : vector<16xi32>
    %swap3A_1094 = arith.constant 1920 : index
    %swap3A_1095 = tpu.vector_load %arg6[%swap3A_1094] {strides = array<i32>} : memref<2048xi32, #tpu.memory_space<vmem>>, vector<16xi32>,
    %swap3A_1096 = vector.shape_cast %swap3A_1095 : vector<16xi32> to vector<16xi32>
    %swap3A_1097 = vector.shape_cast %add3A_1093 : vector<16xi32> to vector<16xi32>
    tpu.vector_store %arg6[%swap3A_1094], %swap3A_1097 {strides = array<i32>} : memref<2048xi32, #tpu.memory_space<vmem>>, vector<16xi32>,
    %get3A_1098 = arith.constant 912 : index
    %get3A_1099 = tpu.vector_load %arg5[%get3A_1098] {strides = array<i32>} : memref<1024xi32, #tpu.memory_space<vmem>>, vector<16xi32>,
    %get3A_1100 = vector.shape_cast %get3A_1099 : vector<16xi32> to vector<16xi32>
    %add3A_1101 = vector.broadcast %mul3A_584 : i32 to vector<16xi32>
    %add3A_1102 = arith.addi %get3A_1100, %add3A_1101 : vector<16xi32>
    %swap3A_1103 = arith.constant 1936 : index
    %swap3A_1104 = tpu.vector_load %arg6[%swap3A_1103] {strides = array<i32>} : memref<2048xi32, #tpu.memory_space<vmem>>, vector<16xi32>,
    %swap3A_1105 = vector.shape_cast %swap3A_1104 : vector<16xi32> to vector<16xi32>
    %swap3A_1106 = vector.shape_cast %add3A_1102 : vector<16xi32> to vector<16xi32>
    tpu.vector_store %arg6[%swap3A_1103], %swap3A_1106 {strides = array<i32>} : memref<2048xi32, #tpu.memory_space<vmem>>, vector<16xi32>,
    %get3A_1107 = arith.constant 928 : index
    %get3A_1108 = tpu.vector_load %arg5[%get3A_1107] {strides = array<i32>} : memref<1024xi32, #tpu.memory_space<vmem>>, vector<16xi32>,
    %get3A_1109 = vector.shape_cast %get3A_1108 : vector<16xi32> to vector<16xi32>
    %add3A_1110 = vector.broadcast %mul3A_584 : i32 to vector<16xi32>
    %add3A_1111 = arith.addi %get3A_1109, %add3A_1110 : vector<16xi32>
    %swap3A_1112 = arith.constant 1952 : index
    %swap3A_1113 = tpu.vector_load %arg6[%swap3A_1112] {strides = array<i32>} : memref<2048xi32, #tpu.memory_space<vmem>>, vector<16xi32>,
    %swap3A_1114 = vector.shape_cast %swap3A_1113 : vector<16xi32> to vector<16xi32>
    %swap3A_1115 = vector.shape_cast %add3A_1111 : vector<16xi32> to vector<16xi32>
    tpu.vector_store %arg6[%swap3A_1112], %swap3A_1115 {strides = array<i32>} : memref<2048xi32, #tpu.memory_space<vmem>>, vector<16xi32>,
    %get3A_1116 = arith.constant 944 : index
    %get3A_1117 = tpu.vector_load %arg5[%get3A_1116] {strides = array<i32>} : memref<1024xi32, #tpu.memory_space<vmem>>, vector<16xi32>,
    %get3A_1118 = vector.shape_cast %get3A_1117 : vector<16xi32> to vector<16xi32>
    %add3A_1119 = vector.broadcast %mul3A_584 : i32 to vector<16xi32>
    %add3A_1120 = arith.addi %get3A_1118, %add3A_1119 : vector<16xi32>
    %swap3A_1121 = arith.constant 1968 : index
    %swap3A_1122 = tpu.vector_load %arg6[%swap3A_1121] {strides = array<i32>} : memref<2048xi32, #tpu.memory_space<vmem>>, vector<16xi32>,
    %swap3A_1123 = vector.shape_cast %swap3A_1122 : vector<16xi32> to vector<16xi32>
    %swap3A_1124 = vector.shape_cast %add3A_1120 : vector<16xi32> to vector<16xi32>
    tpu.vector_store %arg6[%swap3A_1121], %swap3A_1124 {strides = array<i32>} : memref<2048xi32, #tpu.memory_space<vmem>>, vector<16xi32>,
    %get3A_1125 = arith.constant 960 : index
    %get3A_1126 = tpu.vector_load %arg5[%get3A_1125] {strides = array<i32>} : memref<1024xi32, #tpu.memory_space<vmem>>, vector<16xi32>,
    %get3A_1127 = vector.shape_cast %get3A_1126 : vector<16xi32> to vector<16xi32>
    %add3A_1128 = vector.broadcast %mul3A_584 : i32 to vector<16xi32>
    %add3A_1129 = arith.addi %get3A_1127, %add3A_1128 : vector<16xi32>
    %swap3A_1130 = arith.constant 1984 : index
    %swap3A_1131 = tpu.vector_load %arg6[%swap3A_1130] {strides = array<i32>} : memref<2048xi32, #tpu.memory_space<vmem>>, vector<16xi32>,
    %swap3A_1132 = vector.shape_cast %swap3A_1131 : vector<16xi32> to vector<16xi32>
    %swap3A_1133 = vector.shape_cast %add3A_1129 : vector<16xi32> to vector<16xi32>
    tpu.vector_store %arg6[%swap3A_1130], %swap3A_1133 {strides = array<i32>} : memref<2048xi32, #tpu.memory_space<vmem>>, vector<16xi32>,
    %get3A_1134 = arith.constant 976 : index
    %get3A_1135 = tpu.vector_load %arg5[%get3A_1134] {strides = array<i32>} : memref<1024xi32, #tpu.memory_space<vmem>>, vector<16xi32>,
    %get3A_1136 = vector.shape_cast %get3A_1135 : vector<16xi32> to vector<16xi32>
    %add3A_1137 = vector.broadcast %mul3A_584 : i32 to vector<16xi32>
    %add3A_1138 = arith.addi %get3A_1136, %add3A_1137 : vector<16xi32>
    %swap3A_1139 = arith.constant 2000 : index
    %swap3A_1140 = tpu.vector_load %arg6[%swap3A_1139] {strides = array<i32>} : memref<2048xi32, #tpu.memory_space<vmem>>, vector<16xi32>,
    %swap3A_1141 = vector.shape_cast %swap3A_1140 : vector<16xi32> to vector<16xi32>
    %swap3A_1142 = vector.shape_cast %add3A_1138 : vector<16xi32> to vector<16xi32>
    tpu.vector_store %arg6[%swap3A_1139], %swap3A_1142 {strides = array<i32>} : memref<2048xi32, #tpu.memory_space<vmem>>, vector<16xi32>,
    %get3A_1143 = arith.constant 992 : index
    %get3A_1144 = tpu.vector_load %arg5[%get3A_1143] {strides = array<i32>} : memref<1024xi32, #tpu.memory_space<vmem>>, vector<16xi32>,
    %get3A_1145 = vector.shape_cast %get3A_1144 : vector<16xi32> to vector<16xi32>
    %add3A_1146 = vector.broadcast %mul3A_584 : i32 to vector<16xi32>
    %add3A_1147 = arith.addi %get3A_1145, %add3A_1146 : vector<16xi32>
    %swap3A_1148 = arith.constant 2016 : index
    %swap3A_1149 = tpu.vector_load %arg6[%swap3A_1148] {strides = array<i32>} : memref<2048xi32, #tpu.memory_space<vmem>>, vector<16xi32>,
    %swap3A_1150 = vector.shape_cast %swap3A_1149 : vector<16xi32> to vector<16xi32>
    %swap3A_1151 = vector.shape_cast %add3A_1147 : vector<16xi32> to vector<16xi32>
    tpu.vector_store %arg6[%swap3A_1148], %swap3A_1151 {strides = array<i32>} : memref<2048xi32, #tpu.memory_space<vmem>>, vector<16xi32>,
    %get3A_1152 = arith.constant 1008 : index
    %get3A_1153 = tpu.vector_load %arg5[%get3A_1152] {strides = array<i32>} : memref<1024xi32, #tpu.memory_space<vmem>>, vector<16xi32>,
    %get3A_1154 = vector.shape_cast %get3A_1153 : vector<16xi32> to vector<16xi32>
    %add3A_1155 = vector.broadcast %mul3A_584 : i32 to vector<16xi32>
    %add3A_1156 = arith.addi %get3A_1154, %add3A_1155 : vector<16xi32>
    %swap3A_1157 = arith.constant 2032 : index
    %swap3A_1158 = tpu.vector_load %arg6[%swap3A_1157] {strides = array<i32>} : memref<2048xi32, #tpu.memory_space<vmem>>, vector<16xi32>,
    %swap3A_1159 = vector.shape_cast %swap3A_1158 : vector<16xi32> to vector<16xi32>
    %swap3A_1160 = vector.shape_cast %add3A_1156 : vector<16xi32> to vector<16xi32>
    tpu.vector_store %arg6[%swap3A_1157], %swap3A_1160 {strides = array<i32>} : memref<2048xi32, #tpu.memory_space<vmem>>, vector<16xi32>,
    %dma_start3A = arith.constant 0 : i32
    %dma_start3A_1161 = tpu.memref_slice %arg2[%dma_start3A] : memref<6400000xf32, #tpu.memory_space<hbm>> -> memref<6400000xf32, #tpu.memory_space<hbm>>
    tpu.enqueue_indirect_dma source(%dma_start3A_1161 : memref<6400000xf32, #tpu.memory_space<hbm>>) target(%arg7 : memref<2048xf32, #tpu.memory_space<vmem>>) offsets(%arg6 : memref<2048xi32, #tpu.memory_space<vmem>>) semaphore(%arg8 : memref<!tpu.dma_semaphore, #tpu.memory_space<semaphore_mem>>)
    %dma_wait3A = arith.constant 0 : i32
    %dma_wait3A_1162 = tpu.memref_slice %arg2[%dma_wait3A] : memref<6400000xf32, #tpu.memory_space<hbm>> -> memref<6400000xf32, #tpu.memory_space<hbm>>
    tpu.wait_indirect_dma semaphore(%arg8 : memref<!tpu.dma_semaphore, #tpu.memory_space<semaphore_mem>>) src(%dma_wait3A_1162 : memref<6400000xf32, #tpu.memory_space<hbm>>) dst(%arg7 : memref<2048xf32, #tpu.memory_space<vmem>>)
    %mul3A_1163 = arith.constant 2048 : i32
    %mul3A_1164 = arith.muli %add3A, %mul3A_1163 : i32
    "tpu.region"() ({
      %run_scoped3A = tpu.sem_alloc : memref<!tpu.dma_semaphore, #tpu.memory_space<semaphore_mem>>
      %dma_start3A_1165 = tpu.memref_slice %arg4[%mul3A_1164] : memref<65536xf32, #tpu.memory_space<hbm>> -> memref<2048xf32, #tpu.memory_space<hbm>>
      %dma_start3A_1166 = tpu.memref_slice %arg4[%mul3A_1164] : memref<65536xf32, #tpu.memory_space<hbm>> -> memref<2048xf32, #tpu.memory_space<hbm>>
      tpu.enqueue_dma source(%arg7 : memref<2048xf32, #tpu.memory_space<vmem>>) target(%dma_start3A_1166 : memref<2048xf32, #tpu.memory_space<hbm>>) target_semaphore(%run_scoped3A : memref<!tpu.dma_semaphore, #tpu.memory_space<semaphore_mem>>)
      %dma_wait3A_1167 = tpu.memref_slice %arg4[%mul3A_1164] : memref<65536xf32, #tpu.memory_space<hbm>> -> memref<2048xf32, #tpu.memory_space<hbm>>
      %dma_wait3A_1168 = tpu.memref_slice %arg4[%mul3A_1164] : memref<65536xf32, #tpu.memory_space<hbm>> -> memref<2048xf32, #tpu.memory_space<hbm>>
      tpu.wait_dma2 semaphore(%run_scoped3A : memref<!tpu.dma_semaphore, #tpu.memory_space<semaphore_mem>>) src(%arg7 : memref<2048xf32, #tpu.memory_space<vmem>>) dst(%dma_wait3A_1168 : memref<2048xf32, #tpu.memory_space<hbm>>)
      tpu.yield
    }) : () -> ()
    return
  }
}

module attributes {stable_mosaic.version = 14 : i64} {
  func.func @_tc_body(%arg0: i32, %arg1: memref<1024x64xf32, #tpu.memory_space<vmem>>, %arg2: memref<64x128xf32, #tpu.memory_space<vmem>>, %arg3: memref<1024x1xi32, #tpu.memory_space<vmem>>, %arg4: memref<1x128xi32, #tpu.memory_space<vmem>>, %arg5: memref<1x1xf32, #tpu.memory_space<smem>>, %arg6: memref<2xf32, #tpu.memory_space<smem>>) attributes {dimension_semantics = [#tpu.dimension_semantics<arbitrary>], iteration_bounds = array<i64: 8>, scalar_prefetch = 0 : i64, scratch_operands = 1 : i64, tpu.core_type = #tpu.core_type<tc>, window_params = [{pipeline_mode = #tpu.pipeline_mode<synchronous>, transform_indices = @transform_0, window_bounds = array<i64: 1024, 64>}, {transform_indices = @transform_1, window_bounds = array<i64: 64, 128>}, {pipeline_mode = #tpu.pipeline_mode<synchronous>, transform_indices = @transform_2, window_bounds = array<i64: 1024, 1>}, {transform_indices = @transform_3, window_bounds = array<i64: 1, 128>}, {transform_indices = @transform_4, window_bounds = array<i64: 1, 1>}]} {
    %get3A = arith.constant 0 : index
    %get3A_0 = arith.constant 0 : index
    %get3A_1 = vector.load %arg1[%get3A, %get3A_0] : memref<1024x64xf32, #tpu.memory_space<vmem>>, vector<1024x64xf32>
    %get3A_2 = arith.constant 0 : index
    %get3A_3 = arith.constant 0 : index
    %get3A_4 = vector.load %arg2[%get3A_2, %get3A_3] : memref<64x128xf32, #tpu.memory_space<vmem>>, vector<64x128xf32>
    %mul3A = arith.mulf %get3A_1, %get3A_1 : vector<1024x64xf32>
    %reduce_sum3A = arith.constant dense<0.000000e+00> : vector<1024xf32>
    %reduce_sum3A_5 = vector.multi_reduction <add>, %mul3A, %reduce_sum3A [1] : vector<1024x64xf32> to vector<1024xf32>
    %broadcast_in_dim3A = vector.shape_cast %reduce_sum3A_5 : vector<1024xf32> to vector<1024x1xf32>
    %sqrt3A = math.sqrt %broadcast_in_dim3A : vector<1024x1xf32>
    %mul3A_6 = arith.mulf %get3A_4, %get3A_4 : vector<64x128xf32>
    %reduce_sum3A_7 = arith.constant dense<0.000000e+00> : vector<128xf32>
    %reduce_sum3A_8 = vector.multi_reduction <add>, %mul3A_6, %reduce_sum3A_7 [0] : vector<64x128xf32> to vector<128xf32>
    %broadcast_in_dim3A_9 = vector.shape_cast %reduce_sum3A_8 : vector<128xf32> to vector<1x128xf32>
    %sqrt3A_10 = math.sqrt %broadcast_in_dim3A_9 : vector<1x128xf32>
    %dot_general3A = arith.constant dense<0.000000e+00> : vector<1024x128xf32>
    %dot_general3A_11 = tpu.matmul %get3A_1, %get3A_4, %dot_general3A {dimension_numbers = #tpu.dot_dimension_numbers<[1], [0], [0], [1], [0, 0, 1, 1], [], []>, transpose_lhs_hint = false} : vector<1024x64xf32>, vector<64x128xf32>, vector<1024x128xf32> -> vector<1024x128xf32>
    %mul3A_12 = vector.broadcast %sqrt3A : vector<1024x1xf32> to vector<1024x128xf32>
    %mul3A_13 = vector.broadcast %sqrt3A_10 : vector<1x128xf32> to vector<1024x128xf32>
    %mul3A_14 = arith.mulf %mul3A_12, %mul3A_13 : vector<1024x128xf32>
    %div3A = arith.divf %dot_general3A_11, %mul3A_14 : vector<1024x128xf32>
    %jit3A = arith.constant -1.000000e+00 : f32
    %jit3A_15 = arith.constant 1.000000e+00 : f32
    %max3A = vector.broadcast %jit3A : f32 to vector<1024x128xf32>
    %max3A_16 = arith.maximumf %max3A, %div3A : vector<1024x128xf32>
    %min3A = vector.broadcast %jit3A_15 : f32 to vector<1024x128xf32>
    %min3A_17 = arith.minimumf %min3A, %max3A_16 : vector<1024x128xf32>
    %mul3A_18 = arith.mulf %min3A_17, %min3A_17 : vector<1024x128xf32>
    %mul3A_19 = arith.constant 8.000000e+00 : f32
    %mul3A_20 = vector.broadcast %mul3A_19 : f32 to vector<1024x128xf32>
    %mul3A_21 = arith.mulf %mul3A_20, %mul3A_18 : vector<1024x128xf32>
    %mul3A_22 = arith.mulf %mul3A_21, %mul3A_18 : vector<1024x128xf32>
    %mul3A_23 = arith.constant 8.000000e+00 : f32
    %mul3A_24 = vector.broadcast %mul3A_23 : f32 to vector<1024x128xf32>
    %mul3A_25 = arith.mulf %mul3A_24, %mul3A_18 : vector<1024x128xf32>
    %sub3A = arith.subf %mul3A_22, %mul3A_25 : vector<1024x128xf32>
    %add3A = arith.constant 1.000000e+00 : f32
    %add3A_26 = vector.broadcast %add3A : f32 to vector<1024x128xf32>
    %add3A_27 = arith.addf %sub3A, %add3A_26 : vector<1024x128xf32>
    %le3A = arith.constant 0.707106769 : f32
    %le3A_28 = vector.broadcast %le3A : f32 to vector<1024x128xf32>
    %le3A_29 = arith.cmpf ole, %min3A_17, %le3A_28 : vector<1024x128xf32>
    %convert_element_type3A = arith.extui %le3A_29 : vector<1024x128xi1> to vector<1024x128xi32>
    %convert_element_type3A_30 = arith.sitofp %convert_element_type3A : vector<1024x128xi32> to vector<1024x128xf32>
    %le3A_31 = arith.constant 0.000000e+00 : f32
    %le3A_32 = vector.broadcast %le3A_31 : f32 to vector<1024x128xf32>
    %le3A_33 = arith.cmpf ole, %min3A_17, %le3A_32 : vector<1024x128xf32>
    %convert_element_type3A_34 = arith.extui %le3A_33 : vector<1024x128xi1> to vector<1024x128xi32>
    %convert_element_type3A_35 = arith.sitofp %convert_element_type3A_34 : vector<1024x128xi32> to vector<1024x128xf32>
    %add3A_36 = arith.addf %convert_element_type3A_30, %convert_element_type3A_35 : vector<1024x128xf32>
    %le3A_37 = arith.constant -0.707106769 : f32
    %le3A_38 = vector.broadcast %le3A_37 : f32 to vector<1024x128xf32>
    %le3A_39 = arith.cmpf ole, %min3A_17, %le3A_38 : vector<1024x128xf32>
    %convert_element_type3A_40 = arith.extui %le3A_39 : vector<1024x128xi1> to vector<1024x128xi32>
    %convert_element_type3A_41 = arith.sitofp %convert_element_type3A_40 : vector<1024x128xi32> to vector<1024x128xf32>
    %add3A_42 = arith.addf %add3A_36, %convert_element_type3A_41 : vector<1024x128xf32>
    %le3A_43 = arith.constant -1.000000e+00 : f32
    %le3A_44 = vector.broadcast %le3A_43 : f32 to vector<1024x128xf32>
    %le3A_45 = arith.cmpf ole, %min3A_17, %le3A_44 : vector<1024x128xf32>
    %convert_element_type3A_46 = arith.extui %le3A_45 : vector<1024x128xi1> to vector<1024x128xi32>
    %convert_element_type3A_47 = arith.sitofp %convert_element_type3A_46 : vector<1024x128xi32> to vector<1024x128xf32>
    %add3A_48 = arith.addf %add3A_42, %convert_element_type3A_47 : vector<1024x128xf32>
    %gt3A = arith.constant 0.707106769 : f32
    %gt3A_49 = vector.broadcast %gt3A : f32 to vector<1024x128xf32>
    %gt3A_50 = arith.cmpf ogt, %min3A_17, %gt3A_49 : vector<1024x128xf32>
    %le3A_51 = arith.constant 0.000000e+00 : f32
    %le3A_52 = vector.broadcast %le3A_51 : f32 to vector<1024x128xf32>
    %le3A_53 = arith.cmpf ole, %min3A_17, %le3A_52 : vector<1024x128xf32>
    %gt3A_54 = arith.constant -0.707106769 : f32
    %gt3A_55 = vector.broadcast %gt3A_54 : f32 to vector<1024x128xf32>
    %gt3A_56 = arith.cmpf ogt, %min3A_17, %gt3A_55 : vector<1024x128xf32>
    %and3A = arith.andi %le3A_53, %gt3A_56 : vector<1024x128xi1>
    %or3A = arith.ori %gt3A_50, %and3A : vector<1024x128xi1>
    %le3A_57 = arith.constant -1.000000e+00 : f32
    %le3A_58 = vector.broadcast %le3A_57 : f32 to vector<1024x128xf32>
    %le3A_59 = arith.cmpf ole, %min3A_17, %le3A_58 : vector<1024x128xf32>
    %or3A_60 = arith.ori %or3A, %le3A_59 : vector<1024x128xi1>
    %neg3A = arith.constant 0.000000e+00 : f32
    %neg3A_61 = vector.broadcast %neg3A : f32 to vector<1024x128xf32>
    %neg3A_62 = arith.subf %neg3A_61, %add3A_27 : vector<1024x128xf32>
    %select_n3A = arith.select %or3A_60, %add3A_27, %neg3A_62 : vector<1024x128xi1>, vector<1024x128xf32>
    %mul3A_63 = arith.constant 2.000000e+00 : f32
    %mul3A_64 = vector.broadcast %mul3A_63 : f32 to vector<1024x128xf32>
    %mul3A_65 = arith.mulf %mul3A_64, %add3A_48 : vector<1024x128xf32>
    %sub3A_66 = arith.subf %select_n3A, %mul3A_65 : vector<1024x128xf32>
    %mul3A_67 = vector.broadcast %sqrt3A : vector<1024x1xf32> to vector<1024x128xf32>
    %mul3A_68 = arith.mulf %min3A_17, %mul3A_67 : vector<1024x128xf32>
    %mul3A_69 = vector.broadcast %sqrt3A : vector<1024x1xf32> to vector<1024x128xf32>
    %mul3A_70 = arith.mulf %sub3A_66, %mul3A_69 : vector<1024x128xf32>
    %get3A_71 = arith.constant 0 : index
    %get3A_72 = arith.constant 0 : index
    %get3A_73 = vector.load %arg3[%get3A_71, %get3A_72] : memref<1024x1xi32, #tpu.memory_space<vmem>>, vector<1024x1xi32>
    %get3A_74 = arith.constant 0 : index
    %get3A_75 = arith.constant 0 : index
    %get3A_76 = vector.load %arg4[%get3A_74, %get3A_75] : memref<1x128xi32, #tpu.memory_space<vmem>>, vector<1x128xi32>
    %eq3A = vector.broadcast %get3A_73 : vector<1024x1xi32> to vector<1024x128xi32>
    %eq3A_77 = vector.broadcast %get3A_76 : vector<1x128xi32> to vector<1024x128xi32>
    %eq3A_78 = arith.cmpi eq, %eq3A, %eq3A_77 : vector<1024x128xi32>
    %convert_element_type3A_79 = arith.extui %eq3A_78 : vector<1024x128xi1> to vector<1024x128xi32>
    %convert_element_type3A_80 = arith.sitofp %convert_element_type3A_79 : vector<1024x128xi32> to vector<1024x128xf32>
    %mul3A_81 = arith.mulf %convert_element_type3A_80, %mul3A_68 : vector<1024x128xf32>
    %mul3A_82 = arith.constant 7.327960e-04 : f32
    %mul3A_83 = vector.broadcast %mul3A_82 : f32 to vector<1024x128xf32>
    %mul3A_84 = arith.mulf %mul3A_81, %mul3A_83 : vector<1024x128xf32>
    %sub3A_85 = arith.subf %mul3A_68, %mul3A_84 : vector<1024x128xf32>
    %mul3A_86 = arith.mulf %convert_element_type3A_80, %mul3A_70 : vector<1024x128xf32>
    %mul3A_87 = arith.constant 7.327960e-04 : f32
    %mul3A_88 = vector.broadcast %mul3A_87 : f32 to vector<1024x128xf32>
    %mul3A_89 = arith.mulf %mul3A_86, %mul3A_88 : vector<1024x128xf32>
    %add3A_90 = arith.addf %sub3A_85, %mul3A_89 : vector<1024x128xf32>
    %reduce_max3A = arith.constant dense<0xFF800000> : vector<128xf32>
    %reduce_max3A_91 = vector.multi_reduction <maximumf>, %add3A_90, %reduce_max3A [0] : vector<1024x128xf32> to vector<128xf32>
    %broadcast_in_dim3A_92 = vector.shape_cast %reduce_max3A_91 : vector<128xf32> to vector<1x128xf32>
    %sub3A_93 = vector.broadcast %broadcast_in_dim3A_92 : vector<1x128xf32> to vector<1024x128xf32>
    %sub3A_94 = arith.subf %add3A_90, %sub3A_93 : vector<1024x128xf32>
    %exp3A = math.exp %sub3A_94 : vector<1024x128xf32>
    %reduce_sum3A_95 = arith.constant dense<0.000000e+00> : vector<128xf32>
    %reduce_sum3A_96 = vector.multi_reduction <add>, %exp3A, %reduce_sum3A_95 [0] : vector<1024x128xf32> to vector<128xf32>
    %broadcast_in_dim3A_97 = vector.shape_cast %reduce_sum3A_96 : vector<128xf32> to vector<1x128xf32>
    %log3A = math.log %broadcast_in_dim3A_97 : vector<1x128xf32>
    %add3A_98 = arith.addf %broadcast_in_dim3A_92, %log3A : vector<1x128xf32>
    %iota3A = tpu.iota {dimensions = array<i32: 0>} : vector<1024x128xi32>
    %iota3A_99 = tpu.iota {dimensions = array<i32: 1>} : vector<1024x128xi32>
    %mul3A_100 = arith.constant 128 : i32
    %mul3A_101 = arith.muli %arg0, %mul3A_100 : i32
    %add3A_102 = vector.broadcast %mul3A_101 : i32 to vector<1024x128xi32>
    %add3A_103 = arith.addi %iota3A_99, %add3A_102 : vector<1024x128xi32>
    %eq3A_104 = arith.cmpi eq, %iota3A, %add3A_103 : vector<1024x128xi32>
    %jit3A_105 = arith.constant 0.000000e+00 : f32
    %broadcast_in_dim3A_106 = vector.broadcast %jit3A_105 : f32 to vector<1024x128xf32>
    %select_n3A_107 = arith.select %eq3A_104, %add3A_90, %broadcast_in_dim3A_106 : vector<1024x128xi1>, vector<1024x128xf32>
    %reduce_sum3A_108 = vector.shape_cast %select_n3A_107 : vector<1024x128xf32> to vector<1x1024x128xf32>
    %reduce_sum3A_109 = arith.constant dense<0.000000e+00> : vector<1xf32>
    %reduce_sum3A_110 = vector.multi_reduction <add>, %reduce_sum3A_108, %reduce_sum3A_109 [1, 2] : vector<1x1024x128xf32> to vector<1xf32>
    %reduce_sum3A_111 = vector.shape_cast %reduce_sum3A_110 : vector<1xf32> to vector<1x1x1xf32>
    %reduce_sum3A_112 = vector.extract %reduce_sum3A_111[0, 0, 0] : f32 from vector<1x1x1xf32>
    %eq3A_113 = arith.constant 0 : i32
    %eq3A_114 = arith.cmpi eq, %arg0, %eq3A_113 : i32
    %convert_element_type3A_115 = arith.extui %eq3A_114 : i1 to i32
    %cond3A = arith.constant 0 : i32
    %cond3A_116 = arith.cmpi ne, %convert_element_type3A_115, %cond3A : i32
    scf.if %cond3A_116 {
      %swap3A_136 = arith.constant 0.000000e+00 : f32
      %swap3A_137 = arith.constant 0 : index
      %swap3A_138 = memref.load %arg6[%swap3A_137] : memref<2xf32, #tpu.memory_space<smem>>
      memref.store %swap3A_136, %arg6[%swap3A_137] : memref<2xf32, #tpu.memory_space<smem>>
      %swap3A_139 = arith.constant 0.000000e+00 : f32
      %swap3A_140 = arith.constant 1 : index
      %swap3A_141 = memref.load %arg6[%swap3A_140] : memref<2xf32, #tpu.memory_space<smem>>
      memref.store %swap3A_139, %arg6[%swap3A_140] : memref<2xf32, #tpu.memory_space<smem>>
    } else {
    }
    %get3A_117 = arith.constant 0 : index
    %get3A_118 = memref.load %arg6[%get3A_117] : memref<2xf32, #tpu.memory_space<smem>>
    %add3A_119 = arith.addf %get3A_118, %reduce_sum3A_112 : f32
    %swap3A = arith.constant 0 : index
    %swap3A_120 = memref.load %arg6[%swap3A] : memref<2xf32, #tpu.memory_space<smem>>
    memref.store %add3A_119, %arg6[%swap3A] : memref<2xf32, #tpu.memory_space<smem>>
    %get3A_121 = arith.constant 1 : index
    %get3A_122 = memref.load %arg6[%get3A_121] : memref<2xf32, #tpu.memory_space<smem>>
    %reduce_sum3A_123 = vector.shape_cast %add3A_98 : vector<1x128xf32> to vector<1x1x128xf32>
    %reduce_sum3A_124 = arith.constant dense<0.000000e+00> : vector<1xf32>
    %reduce_sum3A_125 = vector.multi_reduction <add>, %reduce_sum3A_123, %reduce_sum3A_124 [1, 2] : vector<1x1x128xf32> to vector<1xf32>
    %reduce_sum3A_126 = vector.shape_cast %reduce_sum3A_125 : vector<1xf32> to vector<1x1x1xf32>
    %reduce_sum3A_127 = vector.extract %reduce_sum3A_126[0, 0, 0] : f32 from vector<1x1x1xf32>
    %add3A_128 = arith.addf %get3A_122, %reduce_sum3A_127 : f32
    %swap3A_129 = arith.constant 1 : index
    %swap3A_130 = memref.load %arg6[%swap3A_129] : memref<2xf32, #tpu.memory_space<smem>>
    memref.store %add3A_128, %arg6[%swap3A_129] : memref<2xf32, #tpu.memory_space<smem>>
    %eq3A_131 = arith.constant 7 : i32
    %eq3A_132 = arith.cmpi eq, %arg0, %eq3A_131 : i32
    %convert_element_type3A_133 = arith.extui %eq3A_132 : i1 to i32
    %cond3A_134 = arith.constant 0 : i32
    %cond3A_135 = arith.cmpi ne, %convert_element_type3A_133, %cond3A_134 : i32
    scf.if %cond3A_135 {
      %get3A_136 = arith.constant 0 : index
      %get3A_137 = memref.load %arg6[%get3A_136] : memref<2xf32, #tpu.memory_space<smem>>
      %get3A_138 = arith.constant 1 : index
      %get3A_139 = memref.load %arg6[%get3A_138] : memref<2xf32, #tpu.memory_space<smem>>
      %sub3A_140 = arith.subf %get3A_137, %get3A_139 : f32
      %neg3A_141 = arith.constant 0.000000e+00 : f32
      %neg3A_142 = arith.subf %neg3A_141, %sub3A_140 : f32
      %div3A_143 = arith.constant 1.024000e+03 : f32
      %div3A_144 = arith.divf %neg3A_142, %div3A_143 : f32
      %swap3A_145 = arith.constant 0 : index
      %swap3A_146 = arith.constant 0 : index
      %swap3A_147 = memref.load %arg5[%swap3A_145, %swap3A_146] : memref<1x1xf32, #tpu.memory_space<smem>>
      memref.store %div3A_144, %arg5[%swap3A_145, %swap3A_146] : memref<1x1xf32, #tpu.memory_space<smem>>
    } else {
    }
    return
  }
  func.func @transform_0(%arg0: i32) -> (i32, i32) {
    %c0_i32 = arith.constant 0 : i32
    %c0_i32_0 = arith.constant 0 : i32
    %c0_i32_1 = arith.constant 0 : i32
    return %c0_i32, %c0_i32_0 : i32, i32
  }
  func.func @transform_1(%arg0: i32) -> (i32, i32) {
    %c0_i32 = arith.constant 0 : i32
    %c0_i32_0 = arith.constant 0 : i32
    return %c0_i32, %arg0 : i32, i32
  }
  func.func @transform_2(%arg0: i32) -> (i32, i32) {
    %c0_i32 = arith.constant 0 : i32
    %c0_i32_0 = arith.constant 0 : i32
    %c0_i32_1 = arith.constant 0 : i32
    return %c0_i32, %c0_i32_0 : i32, i32
  }
  func.func @transform_3(%arg0: i32) -> (i32, i32) {
    %c0_i32 = arith.constant 0 : i32
    %c0_i32_0 = arith.constant 0 : i32
    return %c0_i32, %arg0 : i32, i32
  }
  func.func @transform_4(%arg0: i32) -> (i32, i32) {
    %c0_i32 = arith.constant 0 : i32
    %c0_i32_0 = arith.constant 0 : i32
    %c0_i32_1 = arith.constant 0 : i32
    return %c0_i32, %c0_i32_0 : i32, i32
  }
}

</mosaic_0001>

<sc_bundles>
// kernel: kernel.4.cloned.1.call-start
scs
__scs_entry_jumppad:
0x0: {  	(pc) =	sbr.rel $0x88, $3  }
0x1: {  	(tag) =	ssettag $0x0;
	lr =	simm.s32 $0x1  }
0x2: {  	[smem:$0x3F9E] =	sst lr;
	_ =	strace $0xD0000000  }
0x3: {  	_ = 	snop  }
0x4: {  	_ = 	snop  }
0x5: {  	_ = 	snop  }
0x6: {  	_ = 	snop  }
0x7: {  	_ = 	snop  }
__scs_overlays_trampoline_lowered:
0x8: {  	[smem:$0x3FAD] =	sst s0  }
0x9: {  	[smem:$0x3FAE] =	sst s1  }
0xa: {  	[smem:$0x3FAF] =	sst s2  }
0xb: {  	[smem:$0x3FB0] =	sst s3  }
0xc: {  	[smem:$0x3FB1] =	sst s4  }
0xd: {  	[smem:$0x3FB2] =	sst s5  }
0xe: {  	[smem:$0x3FB3] =	sst s6  }
0xf: {  	[smem:$0x3FB4] =	sst s7  }
0x10: {  	[smem:$0x3FB5] =	sst s8  }
0x11: {  	[smem:$0x3FB6] =	sst s9;
	s0 =	simm.s32 @!p0 $0x0  }
0x12: {  	s1 =	sld [smem:$0x3F9C];
	s0 =	simm.s32 @p0 $0x1  }
0x13: {  	[smem:$0x3FB7] =	sst s0;
	s0 =	simm.s32 @!p1 $0x0  }
0x14: {  	s2 =	sld [smem:$0x3F9B];
	s0 =	simm.s32 @p1 $0x1  }
0x15: {  	[smem:$0x3FB8] =	sst s0;
	s0 =	simm.s32 @!p2 $0x0  }
0x16: {  	s3 =	sld [smem:$0x3FDB];
	s0 =	simm.s32 @p2 $0x1  }
0x17: {  	s4 =	simm.s32 $0x1BF5;
	[smem:$0x3FBA] =	sst s0  }
0x18: {  	s0 =	sld [smem:$0x3F9D];
	_ =	swait.ge [sflag:s4], $0x0  }
0x19: {  	s7 =	sld [smem:$0x3F9E]  }
0x1a: {  	s8 =	sadd.s32 $0xFFFFE003, lr  }
0x1b: {  	s9 =	sadd.s32 $0xFFFFFEF7, lr;
	s5 =	simm.s32 $0xFFFFFFFF;
	p2 =	slt.u32 s8, $0xFFFFF086  }
0x1c: {  	p1 =	slt.u32 s9, $0xF7A;
	s5 =	simm.s32 @!p2 $0x0  }
0x1d: {  	s5 =	simm.s32 @p1 $0x1;
	p0 =	seq.s32 s7, s2  }
0x1e: {  	s7 =	smul.u32 @!p0 $0xF7A, s2;
	p2 =	seq.s32 @!p0 s5, $0x0  }
0x1f: {  	s9 =	smul.u32 $0xF7A, s1;
	s8 =	simm.s32 @!p0 $0x1BF5;
	p2 =	por !p2, p0  }
0x20: {  	[sflag:s8] =	ssyncset.s32 @!p0 $0xFFFFF086;
	s6 =	sadd.s32 @!p0 s3, s7;
	s7 =	simm.s32 @!p0 $0x108  }
0x21: {  	s3 =	sadd.s32 s3, s9;
	s6 =	sadd.s32 @!p0 $0x88, s6;
	s7 =	simm.s32 @p2 $0x1082  }
0x22: {  	[simem:s7], [sflag:s8] =	dma.local @!p0 [hbm:s6], $0xF7A  }
0x23: {  	s9 =	sor.u32 $0xD0000000, s2;
	s6 =	simm.s32 $0x108;
	_ =	swait.ge @!p0 [sflag:s8], $0x0  }
0x24: {  	s3 =	sadd.s32 $0x88, s3;
	s6 =	simm.s32 @!p1 $0x1082;
	[sflag:s4] =	ssyncset.s32 $0xFFFFF086  }
0x25: {  	[simem:s6], [sflag:s4] =	dma.local [hbm:s3], $0xF7A  }
0x26: {  	[smem:$0x3F9E] =	sst s1;
	(tag) =	ssettag s2;
	_ =	strace s9  }
0x27: {  	s1 =	sld [smem:$0x3FAE]  }
0x28: {  	s2 =	sld [smem:$0x3FAF]  }
0x29: {  	s4 =	sld [smem:$0x3FB1]  }
0x2a: {  	p0 =	seq.s32 s5, $0x0;
	s5 =	sld [smem:$0x3FB2]  }
0x2b: {  	s6 =	sld [smem:$0x3FB3]  }
0x2c: {  	s7 =	sld [smem:$0x3FB4]  }
0x2d: {  	s3 =	simm.s32 $0x108;
	s8 =	sld [smem:$0x3FB5]  }
0x2e: {  	s3 =	simm.s32 @!p0 $0x1082;
	s9 =	sld [smem:$0x3FB6]  }
0x2f: {  	lr =	sadd.s32 s0, s3;
	s0 =	sld [smem:$0x3FAD]  }
0x30: {  	s3 =	sld [smem:$0x3FB0]  }
0x31: {  	[smem:$0x3FB9] =	sst s10  }
0x32: {  	s10 =	sld [smem:$0x3FB7];
	_ =	sdelay $0x3  }
0x33: {  	p0 =	seq.s32 s10, $0x1;
	s10 =	sld [smem:$0x3FB9];
	_ =	sdelay $0x3  }
0x34: {  	[smem:$0x3FB9] =	sst s10  }
0x35: {  	s10 =	sld [smem:$0x3FB8];
	_ =	sdelay $0x3  }
0x36: {  	p1 =	seq.s32 s10, $0x1;
	s10 =	sld [smem:$0x3FB9];
	_ =	sdelay $0x3  }
0x37: {  	[smem:$0x3FB9] =	sst s10  }
0x38: {  	s10 =	sld [smem:$0x3FBA]  }
0x39: {  	_ = 	snop;
	(pc) =	sbr.ind lr, $3  }
0x3a: {  	_ = 	snop  }
0x3b: {  	_ = 	snop  }
0x3c: {  	p2 =	seq.s32 s10, $0x1;
	s10 =	sld [smem:$0x3FB9]  }
0x3d: {  	_ =	shalt  }
0x3e: {  	_ =	shalt  }
0x3f: {  	_ =	shalt  }
0x40: {  	_ =	shalt  }
0x41: {  	_ =	shalt  }
0x42: {  	_ =	shalt  }
0x43: {  	_ =	shalt  }
0x44: {  	_ =	shalt  }
0x45: {  	_ =	shalt  }
0x46: {  	_ =	shalt  }
0x47: {  	_ =	shalt  }
0x48: {  	_ =	shalt  }
0x49: {  	_ =	shalt  }
0x4a: {  	_ =	shalt  }
0x4b: {  	_ =	shalt  }
0x4c: {  	_ =	shalt  }
0x4d: {  	_ =	shalt  }
0x4e: {  	_ =	shalt  }
0x4f: {  	_ =	shalt  }
0x50: {  	_ =	shalt  }
0x51: {  	_ =	shalt  }
0x52: {  	_ =	shalt  }
0x53: {  	_ =	shalt  }
0x54: {  	_ =	shalt  }
0x55: {  	_ =	shalt  }
0x56: {  	_ =	shalt  }
0x57: {  	_ =	shalt  }
0x58: {  	_ =	shalt  }
0x59: {  	_ =	shalt  }
0x5a: {  	_ =	shalt  }
0x5b: {  	_ =	shalt  }
0x5c: {  	_ =	shalt  }
0x5d: {  	_ =	shalt  }
0x5e: {  	_ =	shalt  }
0x5f: {  	_ =	shalt  }
0x60: {  	_ =	shalt  }
0x61: {  	_ =	shalt  }
0x62: {  	_ =	shalt  }
0x63: {  	_ =	shalt  }
0x64: {  	_ =	shalt  }
0x65: {  	_ =	shalt  }
0x66: {  	_ =	shalt  }
0x67: {  	_ =	shalt  }
0x68: {  	_ =	shalt  }
0x69: {  	_ =	shalt  }
0x6a: {  	_ =	shalt  }
0x6b: {  	_ =	shalt  }
0x6c: {  	_ =	shalt  }
0x6d: {  	_ =	shalt  }
0x6e: {  	_ =	shalt  }
0x6f: {  	_ =	shalt  }
0x70: {  	_ =	shalt  }
0x71: {  	_ =	shalt  }
0x72: {  	_ =	shalt  }
0x73: {  	_ =	shalt  }
0x74: {  	_ =	shalt  }
0x75: {  	_ =	shalt  }
0x76: {  	_ =	shalt  }
0x77: {  	_ =	shalt  }
0x78: {  	_ =	shalt  }
0x79: {  	_ =	shalt  }
0x7a: {  	_ =	shalt  }
0x7b: {  	_ =	shalt  }
0x7c: {  	_ =	shalt  }
0x7d: {  	_ =	shalt  }
0x7e: {  	_ =	shalt  }
0x7f: {  	_ =	shalt  }
0x80: {  	_ =	shalt  }
0x81: {  	_ =	shalt  }
0x82: {  	_ =	shalt  }
0x83: {  	_ =	shalt  }
0x84: {  	_ =	shalt  }
0x85: {  	_ =	shalt  }
0x86: {  	_ =	shalt  }
0x87: {  	_ =	shalt  }
.Lfunc_end0:
.L_simem_size_0:
called_computation_lowered:
.L_overlay_start_0:
0x88: {  	s2 =	sld [smem:$0x3FD9]  }
0x89: {  	s3 =	sld [smem:$0x3FFE];
	_ =	sdelay $0x1  }
0x8a: {  	s1 =	srdreg.scid  }
0x8b: {  	s0 =	sand.u32 $0x1, s1  }
0x8c: {  	s17 =	sshll.u32 s0, $0xA;
	s2 =	sadd.s32 s3, s2  }
0x8d: {  	s2 =	sadd.s32 s2, s17  }
0x8e: {  	[smem:$0x3FC5] =	sst s2  }
0x8f: {  	_ = 	snop  }
0x90: {  	s2 =	sld [smem:$0x3FC8];
	(tm) =	ssettm $0x1  }
0x91: {  	s18 =	sld [smem:$0x3FFB];
	_ =	sdelay $0x3  }
0x92: {  	_ =	strace s18  }
0x93: {  	s3 =	sld [smem:$0x3FFC];
	_ =	sdelay $0x3  }
0x94: {  	_ =	strace s3  }
0x95: {  	s3 =	sld [smem:$0x3FFD];
	_ =	sdelay $0x3  }
0x96: {  	_ =	strace s3  }
0x97: {  	_ =	strace $0x8FFFFFFF  }
0x98: {  	s19 =	sld [smem:$0x3FDB];
	_ =	sdelay $0x1  }
0x99: {  	s4 =	simm.s32 $_scs_section_size  }
0x9a: {  	s5 =	simm.s32 $_size__tile_overlayer_lowered;
	s6 =	simm.s32 $_tile_overlayer_lowered  }
0x9b: {  	s22 =	simm.s32 $0x1BFF;
	s21 =	sshll.u32 s6, $0x1;
	s3 =	sadd.s32 s4, s19  }
0x9c: {  	s7 =	simm.s32 $0x0;
	s20 =	sshll.u32 s5, $0x1;
	s5 =	sadd.s32 s21, s3  }
0x9d: {  	[timem:s7], [sflag:s22] =	dma.local [hbm:s5], s20  }
0x9e: {  	_ =	swait.ge [sflag:s22], s20  }
0x9f: {  	s4 =	ssub.s32 $0x0, s20;
	[sflag:s22] =	ssyncset.done $0x0  }
0xa0: {  	[sflag:s22] =	ssyncadd.s32 s4;
	_ =	sdelay $0x1  }
0xa1: {  	s23 =	simm.s32 $0x1B8B  }
0xa2: {  	_ =	swait.ge [sflag:s23], $0x1  }
0xa3: {  	[sflag:s23] =	ssyncset.done $0x0  }
0xa4: {  	s25 =	simm.s32 $0x1B8E;
	s24 =	sld [smem:$0x3FFE];
	[sflag:s23] =	ssyncadd.s32 $0xFFFFFFFF  }
0xa5: {  	s26 =	simm.s32 $execute0_lowered;
	[smem:$0x3FD2] =	sst s25  }
0xa6: {  	s5 =	sshll.u32 s26, $0x1;
	_ =	strace $0x80000046;
	[dreg:$0x1] =	wrdreg $0xFFFFFFFF  }
0xa7: {  	s28 =	simm.s32 $_size_execute0_lowered;
	s3 =	sadd.s32 s3, s5;
	[dreg:$0x0] =	wrdreg $0x0  }
0xa8: {  	s5 =	sshll.u32 s28, $0x1;
	[dreg:$0x2] =	wrdreg s3  }
0xa9: {  	[dreg:$0x3] =	wrdreg s5  }
0xaa: {  	[dreg:$0x4] =	wrdreg $0xC0  }
0xab: {  	_ =	task [dreg:s7], $0x5FFFF  }
0xac: {  	[dreg:$0x1] =	wrdreg $0xFFFFFFFF  }
0xad: {  	[dreg:$0x0] =	wrdreg $0x60  }
0xae: {  	[dreg:$0x2] =	wrdreg s24  }
0xaf: {  	[dreg:$0x3] =	wrdreg s2  }
0xb0: {  	[dreg:$0x4] =	wrdreg $0x9  }
0xb1: {  	_ =	task.clear_ibuf [dreg:s7], $0x5FFFF;
	_ =	strace $0x90000046  }
0xb2: {  	s29 =	simm.s32 $0x9;
	_ =	strace $0x80000048  }
0xb3: {  	_ =	swait.ge [sflag:s29], $0x1  }
0xb4: {  	[sflag:s29] =	ssyncadd.s32 $0xFFFFFFFF  }
0xb5: {  	_ =	strace $0x90000048  }
0xb6: {  	_ =	sfence  }
0xb7: {  	s30 =	sld [smem:$0x0];
	_ =	sdelay $0x2  }
0xb8: {  	s31 =	sshll.u32 s1, $0xD;
	s1 =	sshrl.u32 s1, $0x2  }
0xb9: {  	s3 =	sand.u32 $0x4000, s31;
	s1 =	sadd.s32 s1, s30  }
0xba: {  	s0 =	sor.u32 s3, s0;
	s1 =	sshll.u32 s1, $0x11  }
0xbb: {  	s0 =	sor.u32 s1, s0  }
0xbc: {  	s0 =	sadd.s32 $0x8F2B, s0  }
0xbd: {  	[sflag:s0] =	ssyncadd.remote.s32 $0x1  }
0xbe: {  	_ =	sfence.sel $0xFFFF  }
0xbf: {  	[dreg:$0x0] =	wrdreg $0xFFFFFFFF;
	(pc) =	sbr.abs _section_cstart, $3  }
0xc0: {  	[dreg:$0x1] =	wrdreg $0xFFFFFFFF  }
0xc1: {  	_ =	task.clear_ibuf [dreg:s7], $0x2FFFF;
	_ =	strace $0x9FFFFFFF  }
0xc2: {  	(tm) =	ssettm $0x7FFFFFFF  }
0xc3: {  	_ =	shalt  }
tec
execute0_lowered:
.L_overlay_start_1:
0x0: {  	(tag) =	ssettag $0x1  }
0x1: {  	s5 =	rddreg [dreg:$0x0]  }
0x2: {  	s2 =	rddreg [dreg:$0x1]  }
0x3: {  	s0 =	rddreg [dreg:$0x2];
	s3 =	simm.s32 $0x0;
	s4 =	srdreg.scid  }
0x4: {  	s1 =	stileid.u32;
	s11 =	simm.s32 $0x1;
	[smem:$0x7FF] =	sst s3  }
0x5: {  	s4 =	sand.u32 $0x1, s4;
	s6 =	sshll.u32 s1, $0x1;
	_ =	strace $0x80000047  }
0x6: {  	s6 =	sor.u32 s4, s6;
	s8 =	ssub.s32 $0x2, s4;
	s4 =	sadd.s32 $0x800, s5  }
0x7: {  	s7 =	sshll.u32 s6, $0x8;
	s9 =	smul.u32 $0x30D40, s6;
	s31 =	sshrl.u32 s8, $0x1  }
0x8: {  	s5 =	sadd.s32 s7, s5;
	s6 =	ssub.s32 s8, s31;
	s7 =	simm.s32 $0x2  }
0x9: {  	s8 =	simm.s32 $0x800;
	s10 =	sadd.s32 $0x186A0, s9;
	s5 =	sadd.s32 $0xC3E00, s5  }
0xa: {  	s6 =	smax.u32 s6, $0x1;
	v0 =	vmov s9;
	s9 =	simm.s32 $0x400;
	v1 =	vmov s10;
	s10 =	simm.s32 $0xC00  }
.LBB2_1:
0xb: {  	[tilespmem:s3], [sflag:$0x2] =	stream.linear.gather [hbm4b:s2+s3], $0x400, $0x38;
	[tilespmem:$0x1400] =	vst v63  }
0xc: {  	_ =	swait.ge [sflag:s7], $0x400  }
0xd: {  	[sflag:s7] =	ssyncset.done $0x0  }
0xe: {  	[sflag:s7] =	ssyncadd.s32 $0xFFFFFC00  }
0xf: {  	v2 =	vld [tilespmem:$0x0]  }
0x10: {  	v3 =	vld [tilespmem:$0x10]  }
0x11: {  	v4 =	vld [tilespmem:$0x20]  }
0x12: {  	v5 =	vld [tilespmem:$0x30]  }
0x13: {  	v6 =	vld [tilespmem:$0x40]  }
0x14: {  	v7 =	vld [tilespmem:$0x50];
	v2 =	vadd.s32 v0, v2  }
0x15: {  	[tilespmem:$0x400] =	vst v2;
	v2 =	vadd.s32 v0, v3;
	v3 =	vld [tilespmem:$0x60]  }
0x16: {  	v22 =	vld [tilespmem:$0x70];
	[tilespmem:$0x410] =	vst v2;
	v2 =	vadd.s32 v0, v4  }
0x17: {  	v23 =	vld [tilespmem:$0x80];
	[tilespmem:$0x420] =	vst v2;
	v2 =	vadd.s32 v0, v5  }
0x18: {  	v24 =	vld [tilespmem:$0x90];
	[tilespmem:$0x430] =	vst v2;
	v2 =	vadd.s32 v0, v6  }
0x19: {  	v25 =	vld [tilespmem:$0xA0];
	[tilespmem:$0x440] =	vst v2;
	v2 =	vadd.s32 v0, v7  }
0x1a: {  	[tilespmem:$0x450] =	vst v2;
	v2 =	vadd.s32 v0, v3;
	v3 =	vld [tilespmem:$0xB0]  }
0x1b: {  	v26 =	vld [tilespmem:$0xC0];
	[tilespmem:$0x460] =	vst v2;
	v2 =	vadd.s32 v0, v22  }
0x1c: {  	v27 =	vld [tilespmem:$0xD0];
	[tilespmem:$0x470] =	vst v2;
	v2 =	vadd.s32 v0, v23  }
0x1d: {  	v28 =	vld [tilespmem:$0xE0];
	[tilespmem:$0x480] =	vst v2;
	v2 =	vadd.s32 v0, v24  }
0x1e: {  	v29 =	vld [tilespmem:$0xF0];
	[tilespmem:$0x490] =	vst v2;
	v2 =	vadd.s32 v0, v25  }
0x1f: {  	[tilespmem:$0x4A0] =	vst v2;
	v2 =	vadd.s32 v0, v3;
	v3 =	vld [tilespmem:$0x100]  }
0x20: {  	v30 =	vld [tilespmem:$0x110];
	[tilespmem:$0x4B0] =	vst v2;
	v2 =	vadd.s32 v0, v26  }
0x21: {  	v31 =	vld [tilespmem:$0x120];
	[tilespmem:$0x4C0] =	vst v2;
	v2 =	vadd.s32 v0, v27  }
0x22: {  	v32 =	vld [tilespmem:$0x130];
	[tilespmem:$0x4D0] =	vst v2;
	v2 =	vadd.s32 v0, v28  }
0x23: {  	v33 =	vld [tilespmem:$0x140];
	[tilespmem:$0x4E0] =	vst v2;
	v2 =	vadd.s32 v0, v29  }
0x24: {  	[tilespmem:$0x4F0] =	vst v2;
	v2 =	vadd.s32 v0, v3;
	v3 =	vld [tilespmem:$0x150]  }
0x25: {  	v34 =	vld [tilespmem:$0x160];
	[tilespmem:$0x500] =	vst v2;
	v2 =	vadd.s32 v0, v30  }
0x26: {  	v35 =	vld [tilespmem:$0x170];
	[tilespmem:$0x510] =	vst v2;
	v2 =	vadd.s32 v0, v31  }
0x27: {  	v36 =	vld [tilespmem:$0x180];
	[tilespmem:$0x520] =	vst v2;
	v2 =	vadd.s32 v0, v32  }
0x28: {  	v37 =	vld [tilespmem:$0x190];
	[tilespmem:$0x530] =	vst v2;
	v2 =	vadd.s32 v0, v33  }
0x29: {  	[tilespmem:$0x540] =	vst v2;
	v2 =	vadd.s32 v0, v3;
	v3 =	vld [tilespmem:$0x1A0]  }
0x2a: {  	v38 =	vld [tilespmem:$0x1B0];
	[tilespmem:$0x550] =	vst v2;
	v2 =	vadd.s32 v0, v34  }
0x2b: {  	v39 =	vld [tilespmem:$0x1C0];
	[tilespmem:$0x560] =	vst v2;
	v2 =	vadd.s32 v0, v35  }
0x2c: {  	v40 =	vld [tilespmem:$0x1D0];
	[tilespmem:$0x570] =	vst v2;
	v2 =	vadd.s32 v0, v36  }
0x2d: {  	v41 =	vld [tilespmem:$0x1E0];
	[tilespmem:$0x580] =	vst v2;
	v2 =	vadd.s32 v0, v37  }
0x2e: {  	[tilespmem:$0x590] =	vst v2;
	v2 =	vadd.s32 v0, v3;
	v3 =	vld [tilespmem:$0x1F0]  }
0x2f: {  	v42 =	vld [tilespmem:$0x200];
	[tilespmem:$0x5A0] =	vst v2;
	v2 =	vadd.s32 v0, v38  }
0x30: {  	v43 =	vld [tilespmem:$0x210];
	[tilespmem:$0x5B0] =	vst v2;
	v2 =	vadd.s32 v0, v39  }
0x31: {  	v44 =	vld [tilespmem:$0x220];
	[tilespmem:$0x5C0] =	vst v2;
	v2 =	vadd.s32 v0, v40  }
0x32: {  	v45 =	vld [tilespmem:$0x230];
	[tilespmem:$0x5D0] =	vst v2;
	v2 =	vadd.s32 v0, v41  }
0x33: {  	[tilespmem:$0x5E0] =	vst v2;
	v2 =	vadd.s32 v0, v3;
	v3 =	vld [tilespmem:$0x240]  }
0x34: {  	v46 =	vld [tilespmem:$0x250];
	[tilespmem:$0x5F0] =	vst v2;
	v2 =	vadd.s32 v0, v42  }
0x35: {  	v47 =	vld [tilespmem:$0x260];
	[tilespmem:$0x600] =	vst v2;
	v2 =	vadd.s32 v0, v43  }
0x36: {  	v48 =	vld [tilespmem:$0x270];
	[tilespmem:$0x610] =	vst v2;
	v2 =	vadd.s32 v0, v44  }
0x37: {  	v49 =	vld [tilespmem:$0x280];
	[tilespmem:$0x620] =	vst v2;
	v2 =	vadd.s32 v0, v45  }
0x38: {  	[tilespmem:$0x630] =	vst v2;
	v2 =	vadd.s32 v0, v3;
	v3 =	vld [tilespmem:$0x290]  }
0x39: {  	v50 =	vld [tilespmem:$0x2A0];
	[tilespmem:$0x640] =	vst v2;
	v2 =	vadd.s32 v0, v46  }
0x3a: {  	v51 =	vld [tilespmem:$0x2B0];
	[tilespmem:$0x650] =	vst v2;
	v2 =	vadd.s32 v0, v47  }
0x3b: {  	v52 =	vld [tilespmem:$0x2C0];
	[tilespmem:$0x660] =	vst v2;
	v2 =	vadd.s32 v0, v48  }
0x3c: {  	v53 =	vld [tilespmem:$0x2D0];
	[tilespmem:$0x670] =	vst v2;
	v2 =	vadd.s32 v0, v49  }
0x3d: {  	[tilespmem:$0x680] =	vst v2;
	v2 =	vadd.s32 v0, v3;
	v3 =	vld [tilespmem:$0x2E0]  }
0x3e: {  	v54 =	vld [tilespmem:$0x2F0];
	[tilespmem:$0x690] =	vst v2;
	v2 =	vadd.s32 v0, v50  }
0x3f: {  	v55 =	vld [tilespmem:$0x300];
	[tilespmem:$0x6A0] =	vst v2;
	v2 =	vadd.s32 v0, v51  }
0x40: {  	v56 =	vld [tilespmem:$0x310];
	[tilespmem:$0x6B0] =	vst v2;
	v2 =	vadd.s32 v0, v52  }
0x41: {  	v57 =	vld [tilespmem:$0x320];
	[tilespmem:$0x6C0] =	vst v2;
	v2 =	vadd.s32 v0, v53  }
0x42: {  	[tilespmem:$0x6D0] =	vst v2;
	v2 =	vadd.s32 v0, v3;
	v3 =	vld [tilespmem:$0x330]  }
0x43: {  	v58 =	vld [tilespmem:$0x340];
	[tilespmem:$0x6E0] =	vst v2;
	v2 =	vadd.s32 v0, v54  }
0x44: {  	v59 =	vld [tilespmem:$0x350];
	[tilespmem:$0x6F0] =	vst v2;
	v2 =	vadd.s32 v0, v55  }
0x45: {  	v60 =	vld [tilespmem:$0x360];
	[tilespmem:$0x700] =	vst v2;
	v2 =	vadd.s32 v0, v56  }
0x46: {  	v61 =	vld [tilespmem:$0x370];
	[tilespmem:$0x710] =	vst v2;
	v2 =	vadd.s32 v0, v57  }
0x47: {  	[tilespmem:$0x720] =	vst v2;
	v2 =	vadd.s32 v0, v3;
	v3 =	vld [tilespmem:$0x380]  }
0x48: {  	v62 =	vld [tilespmem:$0x390];
	[tilespmem:$0x730] =	vst v2;
	v2 =	vadd.s32 v0, v58  }
0x49: {  	v63 =	vld [tilespmem:$0x3A0];
	[tilespmem:$0x740] =	vst v2;
	v2 =	vadd.s32 v0, v59  }
0x4a: {  	v9 =	vld [tilespmem:$0x3B0];
	[tilespmem:$0x750] =	vst v2;
	v2 =	vadd.s32 v0, v60  }
0x4b: {  	v10 =	vld [tilespmem:$0x3C0];
	[tilespmem:$0x760] =	vst v2;
	v2 =	vadd.s32 v0, v61  }
0x4c: {  	[tilespmem:$0x770] =	vst v2;
	v2 =	vadd.s32 v0, v3;
	v3 =	vld [tilespmem:$0x3D0]  }
0x4d: {  	v11 =	vld [tilespmem:$0x3E0];
	[tilespmem:$0x780] =	vst v2;
	v2 =	vadd.s32 v0, v62  }
0x4e: {  	v12 =	vld [tilespmem:$0x3F0];
	[tilespmem:$0x790] =	vst v2;
	v2 =	vadd.s32 v0, v63  }
0x4f: {  	v13 =	vld [tilespmem:$0x0];
	[tilespmem:$0x7A0] =	vst v2;
	v2 =	vadd.s32 v0, v9  }
0x50: {  	v14 =	vld [tilespmem:$0x10];
	[tilespmem:$0x7B0] =	vst v2;
	v2 =	vadd.s32 v0, v10  }
0x51: {  	[tilespmem:$0x7C0] =	vst v2;
	v2 =	vadd.s32 v0, v3;
	v3 =	vld [tilespmem:$0x20]  }
0x52: {  	v15 =	vld [tilespmem:$0x30];
	[tilespmem:$0x7D0] =	vst v2;
	v2 =	vadd.s32 v0, v11  }
0x53: {  	v16 =	vld [tilespmem:$0x40];
	[tilespmem:$0x7E0] =	vst v2;
	v2 =	vadd.s32 v0, v12  }
0x54: {  	v17 =	vld [tilespmem:$0x50];
	[tilespmem:$0x7F0] =	vst v2;
	v2 =	vadd.s32 v1, v13  }
0x55: {  	v18 =	vld [tilespmem:$0x60];
	[tilespmem:$0x800] =	vst v2;
	v2 =	vadd.s32 v1, v14  }
0x56: {  	[tilespmem:$0x810] =	vst v2;
	v2 =	vadd.s32 v1, v3;
	v3 =	vld [tilespmem:$0x70]  }
0x57: {  	v19 =	vld [tilespmem:$0x80];
	[tilespmem:$0x820] =	vst v2;
	v2 =	vadd.s32 v1, v15  }
0x58: {  	v20 =	vld [tilespmem:$0x90];
	[tilespmem:$0x830] =	vst v2;
	v2 =	vadd.s32 v1, v16  }
0x59: {  	v21 =	vld [tilespmem:$0xA0];
	[tilespmem:$0x840] =	vst v2;
	v2 =	vadd.s32 v1, v17  }
0x5a: {  	v22 =	vld [tilespmem:$0xB0];
	[tilespmem:$0x850] =	vst v2;
	v2 =	vadd.s32 v1, v18  }
0x5b: {  	[tilespmem:$0x860] =	vst v2;
	v2 =	vadd.s32 v1, v3;
	v3 =	vld [tilespmem:$0xC0]  }
0x5c: {  	v23 =	vld [tilespmem:$0xD0];
	[tilespmem:$0x870] =	vst v2;
	v2 =	vadd.s32 v1, v19  }
0x5d: {  	v24 =	vld [tilespmem:$0xE0];
	[tilespmem:$0x880] =	vst v2;
	v2 =	vadd.s32 v1, v20  }
0x5e: {  	v25 =	vld [tilespmem:$0xF0];
	[tilespmem:$0x890] =	vst v2;
	v2 =	vadd.s32 v1, v21  }
0x5f: {  	v26 =	vld [tilespmem:$0x100];
	[tilespmem:$0x8A0] =	vst v2;
	v2 =	vadd.s32 v1, v22  }
0x60: {  	[tilespmem:$0x8B0] =	vst v2;
	v2 =	vadd.s32 v1, v3;
	v3 =	vld [tilespmem:$0x110]  }
0x61: {  	v27 =	vld [tilespmem:$0x120];
	[tilespmem:$0x8C0] =	vst v2;
	v2 =	vadd.s32 v1, v23  }
0x62: {  	v28 =	vld [tilespmem:$0x130];
	[tilespmem:$0x8D0] =	vst v2;
	v2 =	vadd.s32 v1, v24  }
0x63: {  	v29 =	vld [tilespmem:$0x140];
	[tilespmem:$0x8E0] =	vst v2;
	v2 =	vadd.s32 v1, v25  }
0x64: {  	v30 =	vld [tilespmem:$0x150];
	[tilespmem:$0x8F0] =	vst v2;
	v2 =	vadd.s32 v1, v26  }
0x65: {  	[tilespmem:$0x900] =	vst v2;
	v2 =	vadd.s32 v1, v3;
	v3 =	vld [tilespmem:$0x160]  }
0x66: {  	v31 =	vld [tilespmem:$0x170];
	[tilespmem:$0x910] =	vst v2;
	v2 =	vadd.s32 v1, v27  }
0x67: {  	v32 =	vld [tilespmem:$0x180];
	[tilespmem:$0x920] =	vst v2;
	v2 =	vadd.s32 v1, v28  }
0x68: {  	v33 =	vld [tilespmem:$0x190];
	[tilespmem:$0x930] =	vst v2;
	v2 =	vadd.s32 v1, v29  }
0x69: {  	v34 =	vld [tilespmem:$0x1A0];
	[tilespmem:$0x940] =	vst v2;
	v2 =	vadd.s32 v1, v30  }
0x6a: {  	[tilespmem:$0x950] =	vst v2;
	v2 =	vadd.s32 v1, v3;
	v3 =	vld [tilespmem:$0x1B0]  }
0x6b: {  	v35 =	vld [tilespmem:$0x1C0];
	[tilespmem:$0x960] =	vst v2;
	v2 =	vadd.s32 v1, v31  }
0x6c: {  	v36 =	vld [tilespmem:$0x1D0];
	[tilespmem:$0x970] =	vst v2;
	v2 =	vadd.s32 v1, v32  }
0x6d: {  	v37 =	vld [tilespmem:$0x1E0];
	[tilespmem:$0x980] =	vst v2;
	v2 =	vadd.s32 v1, v33  }
0x6e: {  	v38 =	vld [tilespmem:$0x1F0];
	[tilespmem:$0x990] =	vst v2;
	v2 =	vadd.s32 v1, v34  }
0x6f: {  	[tilespmem:$0x9A0] =	vst v2;
	v2 =	vadd.s32 v1, v3;
	v3 =	vld [tilespmem:$0x200]  }
0x70: {  	v39 =	vld [tilespmem:$0x210];
	[tilespmem:$0x9B0] =	vst v2;
	v2 =	vadd.s32 v1, v35  }
0x71: {  	v40 =	vld [tilespmem:$0x220];
	[tilespmem:$0x9C0] =	vst v2;
	v2 =	vadd.s32 v1, v36  }
0x72: {  	v41 =	vld [tilespmem:$0x230];
	[tilespmem:$0x9D0] =	vst v2;
	v2 =	vadd.s32 v1, v37  }
0x73: {  	v42 =	vld [tilespmem:$0x240];
	[tilespmem:$0x9E0] =	vst v2;
	v2 =	vadd.s32 v1, v38  }
0x74: {  	[tilespmem:$0x9F0] =	vst v2;
	v2 =	vadd.s32 v1, v3;
	v3 =	vld [tilespmem:$0x250]  }
0x75: {  	v43 =	vld [tilespmem:$0x260];
	[tilespmem:$0xA00] =	vst v2;
	v2 =	vadd.s32 v1, v39  }
0x76: {  	v44 =	vld [tilespmem:$0x270];
	[tilespmem:$0xA10] =	vst v2;
	v2 =	vadd.s32 v1, v40  }
0x77: {  	v45 =	vld [tilespmem:$0x280];
	[tilespmem:$0xA20] =	vst v2;
	v2 =	vadd.s32 v1, v41  }
0x78: {  	v46 =	vld [tilespmem:$0x290];
	[tilespmem:$0xA30] =	vst v2;
	v2 =	vadd.s32 v1, v42  }
0x79: {  	[tilespmem:$0xA40] =	vst v2;
	v2 =	vadd.s32 v1, v3;
	v3 =	vld [tilespmem:$0x2A0]  }
0x7a: {  	v47 =	vld [tilespmem:$0x2B0];
	[tilespmem:$0xA50] =	vst v2;
	v2 =	vadd.s32 v1, v43  }
0x7b: {  	v48 =	vld [tilespmem:$0x2C0];
	[tilespmem:$0xA60] =	vst v2;
	v2 =	vadd.s32 v1, v44  }
0x7c: {  	v49 =	vld [tilespmem:$0x2D0];
	[tilespmem:$0xA70] =	vst v2;
	v2 =	vadd.s32 v1, v45  }
0x7d: {  	v50 =	vld [tilespmem:$0x2E0];
	[tilespmem:$0xA80] =	vst v2;
	v2 =	vadd.s32 v1, v46  }
0x7e: {  	[tilespmem:$0xA90] =	vst v2;
	v2 =	vadd.s32 v1, v3;
	v3 =	vld [tilespmem:$0x2F0]  }
0x7f: {  	v51 =	vld [tilespmem:$0x300];
	[tilespmem:$0xAA0] =	vst v2;
	v2 =	vadd.s32 v1, v47  }
0x80: {  	v52 =	vld [tilespmem:$0x310];
	[tilespmem:$0xAB0] =	vst v2;
	v2 =	vadd.s32 v1, v48  }
0x81: {  	v53 =	vld [tilespmem:$0x320];
	[tilespmem:$0xAC0] =	vst v2;
	v2 =	vadd.s32 v1, v49  }
0x82: {  	v54 =	vld [tilespmem:$0x330];
	[tilespmem:$0xAD0] =	vst v2;
	v2 =	vadd.s32 v1, v50  }
0x83: {  	[tilespmem:$0xAE0] =	vst v2;
	v2 =	vadd.s32 v1, v3;
	v3 =	vld [tilespmem:$0x340]  }
0x84: {  	v55 =	vld [tilespmem:$0x350];
	[tilespmem:$0xAF0] =	vst v2;
	v2 =	vadd.s32 v1, v51  }
0x85: {  	v56 =	vld [tilespmem:$0x360];
	[tilespmem:$0xB00] =	vst v2;
	v2 =	vadd.s32 v1, v52  }
0x86: {  	v57 =	vld [tilespmem:$0x370];
	[tilespmem:$0xB10] =	vst v2;
	v2 =	vadd.s32 v1, v53  }
0x87: {  	v58 =	vld [tilespmem:$0x380];
	[tilespmem:$0xB20] =	vst v2;
	v2 =	vadd.s32 v1, v54  }
0x88: {  	[tilespmem:$0xB30] =	vst v2;
	v2 =	vadd.s32 v1, v3;
	v3 =	vld [tilespmem:$0x390]  }
0x89: {  	v59 =	vld [tilespmem:$0x3A0];
	[tilespmem:$0xB40] =	vst v2;
	v2 =	vadd.s32 v1, v55  }
0x8a: {  	v60 =	vld [tilespmem:$0x3B0];
	[tilespmem:$0xB50] =	vst v2;
	v2 =	vadd.s32 v1, v56  }
0x8b: {  	v61 =	vld [tilespmem:$0x3C0];
	[tilespmem:$0xB60] =	vst v2;
	v2 =	vadd.s32 v1, v57  }
0x8c: {  	v62 =	vld [tilespmem:$0x3D0];
	[tilespmem:$0xB70] =	vst v2;
	v2 =	vadd.s32 v1, v58  }
0x8d: {  	[tilespmem:$0xB80] =	vst v2;
	v2 =	vadd.s32 v1, v3;
	v3 =	vld [tilespmem:$0x3E0]  }
0x8e: {  	v63 =	vld [tilespmem:$0x3F0];
	[tilespmem:$0xB90] =	vst v2;
	v2 =	vadd.s32 v1, v59  }
0x8f: {  	[tilespmem:$0xBA0] =	vst v2;
	v2 =	vadd.s32 v1, v60  }
0x90: {  	[tilespmem:$0xBB0] =	vst v2;
	v2 =	vadd.s32 v1, v61  }
0x91: {  	[tilespmem:$0xBC0] =	vst v2;
	v2 =	vadd.s32 v1, v62  }
0x92: {  	[tilespmem:$0xBD0] =	vst v2;
	v2 =	vadd.s32 v1, v3  }
0x93: {  	[tilespmem:$0xBE0] =	vst v2;
	v2 =	vadd.s32 v1, v63  }
0x94: {  	[tilespmem:$0xBF0] =	vst v2  }
0x95: {  	[tilespmem:s10], [sflag:$0x1] =	stream.indirect.gather [hbm4b:s4+s8], $0x1, s9, s8, $0xb8;
	[tilespmem:$0x1400] =	vst v63  }
0x96: {  	_ =	swait.ge [sflag:s11], $0x800  }
0x97: {  	p0 =	sne.s32 s6, $0x1;
	[sflag:s11] =	ssyncset.done $0x0  }
.Ltmp0:
0x98: {  	[sflag:s11] =	ssyncadd.s32 $0xFFFFF800;
	(pc) =	sbr.rel @p0 .LBB2_1-.Ltmp0, $4  }
0x99: {  	[hbm4b:s5+s3] =	stream.linear.scatter [tilespmem:s10], [sflag:$0x2], $0x800, $0x38;
	[tilespmem:$0x1400] =	vst v63  }
0x9a: {  	_ =	swait.ge [sflag:s7], $0x800  }
0x9b: {  	[sflag:s7] =	ssyncset.done $0x0  }
0x9c: {  	s6 =	sadd.s32 $0xFFFFFFFF, s6;
	[sflag:s7] =	ssyncadd.s32 $0xFFFFF800  }
0x9d: {  	_ =	sfence.sel $0x180000  }
0x9e: {  	[bflag:$0x0] =	sbarrier.arrive $0xFFFF  }
0x9f: {  	p0 =	sne.s32 s1, $0x0;
	_ =	strace $0x90000047  }
0xa0: {  	s0 =	sadd.s32 @!p0 $0x100000, s0;
	[bflag:$0x2] =	sbarrier.arrive $0xFFFF  }
0xa1: {  	[sflag:s0] =	ssyncadd.tile.s32 @!p0 $0x1;
	_ =	shalt  }
.Lfunc_end2:
_tile_overlayer_lowered:
.L_overlay_start_2:
0xa2: {  	(tag) =	ssettag $0x2  }
0xa3: {  	s0 =	rddreg [dreg:$0x0];
	s2 =	stileid.u32  }
0xa4: {  	s1 =	rddreg [dreg:$0x1];
	p0 =	sne.s32 s2, $0x0  }
0xa5: {  	s3 =	rddreg [dreg:$0x2];
	[bflag:$0x3] =	sbarrier.arrive $0xFFFF;
	s2 =	simm.s32 @!p0 $0x1C02  }
0xa6: {  	[timem:s3], [sflag:s2] =	dma.local @!p0 [hbm:s0], s1  }
0xa7: {  	s0 =	simm.s32 @!p0 $0x2  }
0xa8: {  	_ =	swait.ge @!p0 [sflag:s0], s1  }
0xa9: {  	s1 =	ssub.s32 @!p0 $0x0, s1;
	[sflag:s0] =	ssyncset.done @!p0 $0x0  }
0xaa: {  	[sflag:s0] =	ssyncadd.s32 @!p0 s1  }
0xab: {  	[bflag:$0x3] =	sbarrier.arrive $0xFFFF  }
0xac: {  	_ =	shalt  }

</sc_bundles>
